<compile_context>
chip_gen: v7x
topology: tpu7x:2x2x1
jax: 0.10.2.dev20260603
libtpu: 0.0.44.dev20260713+nightly
codegen_flags: <defaults>
</compile_context>

<pallas_src>
import functools

import jax
import jax.numpy as jnp
from jax import lax
from jax.experimental import pallas as pl
from jax.experimental.pallas import tpu as pltpu
from jax.experimental.pallas import tpu_sc as plsc

NUM_EMBEDDINGS = 40
EMBED_DIM = 128
BATCH = 16384

_NC = 2
_NS = 16
_NW = _NC * _NS
_BPW = BATCH // _NW
_CHUNK = 64
_NCHUNK = _BPW // _CHUNK

_mesh = plsc.VectorSubcoreMesh(core_axis_name="c", subcore_axis_name="s")


@functools.partial(
    pl.kernel,
    out_type=jax.ShapeDtypeStruct((BATCH, EMBED_DIM), jnp.float32),
    mesh=_mesh,
    scratch_types=[
        pltpu.VMEM((_BPW,), jnp.int32),
        pltpu.VMEM((_BPW, EMBED_DIM), jnp.float32),
        pltpu.VMEM((8, EMBED_DIM), jnp.float32),
        pltpu.VMEM_SHARED((NUM_EMBEDDINGS, EMBED_DIM), jnp.float32),
        pltpu.SemaphoreType.DMA,
        pltpu.SemaphoreType.DMA,
        pltpu.SemaphoreType.DMA,
    ],
)
def _gather_kernel(idx_hbm, table_hbm, out_hbm, idx_v, rows_v, tstage_v,
                   table_sh, gsem, ssem, isem):
    sid = lax.axis_index("s")
    wid = sid * _NC + lax.axis_index("c")
    base = wid * _BPW
    idx_cp = pltpu.async_copy(idx_hbm.at[pl.ds(base, _BPW)], idx_v, isem)
    @pl.when(sid < 5)
    def _():
        pltpu.sync_copy(table_hbm.at[pl.ds(sid * 8, 8)], tstage_v)
        pltpu.sync_copy(tstage_v, table_sh.at[pl.ds(sid * 8, 8)])

    idx_cp.wait()
    plsc.subcore_barrier()
    copies = []
    for j in range(_NCHUNK):
        copies.append(
            pltpu.async_copy(
                table_sh.at[idx_v.at[pl.ds(j * _CHUNK, _CHUNK)]],
                rows_v.at[pl.ds(j * _CHUNK, _CHUNK)],
                gsem,
            )
        )
    stores = []
    for j in range(_NCHUNK):
        copies[j].wait()
        stores.append(
            pltpu.async_copy(
                rows_v.at[pl.ds(j * _CHUNK, _CHUNK)],
                out_hbm.at[pl.ds(base + j * _CHUNK, _CHUNK)],
                ssem,
            )
        )
    for s in stores:
        s.wait()


def kernel(grasp_type_id, table):
    return _gather_kernel(grasp_type_id.astype(jnp.int32), table)

# --- scband reference (transcript-rebuilt; emitter-appended) ---
"""Pipeline reference for scband-learnable-type-cond-63436666962113 (READ-ONLY COPY).

The authoritative reference and input builder live on the scoring server;
editing this copy changes nothing except your own understanding.
"""

import jax, jax.numpy as jnp
import numpy as np

NUM_EMBEDDINGS = 40
EMBED_DIM = 128
BATCH = 16384

def setup_inputs(seed: int = 0) -> dict:
    key = jax.random.key(seed)
    k1, k2 = jax.random.split(key)
    grasp_type_id = jax.random.randint(k1, (BATCH,), 0, NUM_EMBEDDINGS, dtype=jnp.int64 if jax.config.jax_enable_x64 else jnp.int32)
    table = jax.random.normal(k2, (NUM_EMBEDDINGS, EMBED_DIM), dtype=jnp.float32)
    return {"grasp_type_id": grasp_type_id, "table": table}

def reference(grasp_type_id, table):
    # cfg.disabled == False -> plain embedding lookup
    return jnp.take(table, grasp_type_id, axis=0)

if __name__ == "__main__":
    import jax
    _d = setup_inputs()
    print(jax.jit(kernel)(*tuple(_d.values())))

</pallas_src>

<mosaic_0001>
#map = affine_map<(d0, d1) -> (0)>
#map1 = affine_map<(d0, d1) -> (0, 0)>
module attributes {stable_mosaic.version = 14 : i64} {
  func.func @_gather_kernel(%arg0: i32, %arg1: i32, %arg2: memref<16384xi32, #tpu.memory_space<hbm>>, %arg3: memref<40x128xf32, #tpu.memory_space<hbm>>, %arg4: memref<16384x128xf32, #tpu.memory_space<hbm>>, %arg5: memref<512xi32, #tpu.memory_space<vmem>>, %arg6: memref<512x128xf32, #tpu.memory_space<vmem>>, %arg7: memref<8x128xf32, #tpu.memory_space<vmem>>, %arg8: memref<40x128xf32, #tpu.memory_space<vmem_shared>>, %arg9: memref<!tpu.dma_semaphore, #tpu.memory_space<semaphore_mem>>, %arg10: memref<!tpu.dma_semaphore, #tpu.memory_space<semaphore_mem>>, %arg11: memref<!tpu.dma_semaphore, #tpu.memory_space<semaphore_mem>>) attributes {dimension_semantics = [#tpu.dimension_semantics<core_parallel>, #tpu.dimension_semantics<subcore_parallel>], iteration_bounds = array<i64: 2, 16>, scalar_prefetch = 0 : i64, scratch_operands = 7 : i64, tpu.core_type = #tpu.core_type<sc_vector_subcore>, window_params = [{transform_indices = #map}, {transform_indices = #map1}, {transform_indices = #map1}]} {
    %mul3A = arith.constant 2 : i32
    %mul3A_0 = arith.muli %arg1, %mul3A : i32
    %add3A = arith.addi %mul3A_0, %arg0 : i32
    %mul3A_1 = arith.constant 512 : i32
    %mul3A_2 = arith.muli %add3A, %mul3A_1 : i32
    %dma_start3A = tpu.memref_slice %arg2[%mul3A_2] : memref<16384xi32, #tpu.memory_space<hbm>> -> memref<512xi32, #tpu.memory_space<hbm>>
    %dma_start3A_3 = tpu.memref_slice %arg2[%mul3A_2] : memref<16384xi32, #tpu.memory_space<hbm>> -> memref<512xi32, #tpu.memory_space<hbm>>
    tpu.enqueue_dma source(%dma_start3A_3 : memref<512xi32, #tpu.memory_space<hbm>>) target(%arg5 : memref<512xi32, #tpu.memory_space<vmem>>) target_semaphore(%arg11 : memref<!tpu.dma_semaphore, #tpu.memory_space<semaphore_mem>>)
    %lt3A = arith.constant 5 : i32
    %lt3A_4 = arith.cmpi slt, %arg1, %lt3A : i32
    %convert_element_type3A = arith.extui %lt3A_4 : i1 to i32
    %cond3A = arith.constant 0 : i32
    %cond3A_5 = arith.cmpi ne, %convert_element_type3A, %cond3A : i32
    scf.if %cond3A_5 {
      %mul3A_311 = arith.constant 8 : i32
      %mul3A_312 = arith.muli %arg1, %mul3A_311 : i32
      "tpu.region"() ({
        %run_scoped3A = tpu.sem_alloc : memref<!tpu.dma_semaphore, #tpu.memory_space<semaphore_mem>>
        %dma_start3A_315 = arith.constant 0 : i32
        %dma_start3A_316 = tpu.memref_slice %arg3[%mul3A_312, %dma_start3A_315] : memref<40x128xf32, #tpu.memory_space<hbm>> -> memref<8x128xf32, #tpu.memory_space<hbm>>
        %dma_start3A_317 = arith.constant 0 : i32
        %dma_start3A_318 = tpu.memref_slice %arg3[%mul3A_312, %dma_start3A_317] : memref<40x128xf32, #tpu.memory_space<hbm>> -> memref<8x128xf32, #tpu.memory_space<hbm>>
        tpu.enqueue_dma source(%dma_start3A_318 : memref<8x128xf32, #tpu.memory_space<hbm>>) target(%arg7 : memref<8x128xf32, #tpu.memory_space<vmem>>) target_semaphore(%run_scoped3A : memref<!tpu.dma_semaphore, #tpu.memory_space<semaphore_mem>>)
        %dma_wait3A_319 = arith.constant 0 : i32
        %dma_wait3A_320 = tpu.memref_slice %arg3[%mul3A_312, %dma_wait3A_319] : memref<40x128xf32, #tpu.memory_space<hbm>> -> memref<8x128xf32, #tpu.memory_space<hbm>>
        %dma_wait3A_321 = arith.constant 0 : i32
        %dma_wait3A_322 = tpu.memref_slice %arg3[%mul3A_312, %dma_wait3A_321] : memref<40x128xf32, #tpu.memory_space<hbm>> -> memref<8x128xf32, #tpu.memory_space<hbm>>
        tpu.wait_dma2 semaphore(%run_scoped3A : memref<!tpu.dma_semaphore, #tpu.memory_space<semaphore_mem>>) src(%dma_wait3A_322 : memref<8x128xf32, #tpu.memory_space<hbm>>) dst(%arg7 : memref<8x128xf32, #tpu.memory_space<vmem>>)
        tpu.yield
      }) : () -> ()
      %mul3A_313 = arith.constant 8 : i32
      %mul3A_314 = arith.muli %arg1, %mul3A_313 : i32
      "tpu.region"() ({
        %run_scoped3A = tpu.sem_alloc : memref<!tpu.dma_semaphore, #tpu.memory_space<semaphore_mem>>
        %dma_start3A_315 = arith.constant 0 : i32
        %dma_start3A_316 = tpu.memref_slice %arg8[%mul3A_314, %dma_start3A_315] : memref<40x128xf32, #tpu.memory_space<vmem_shared>> -> memref<8x128xf32, #tpu.memory_space<vmem_shared>>
        %dma_start3A_317 = arith.constant 0 : i32
        %dma_start3A_318 = tpu.memref_slice %arg8[%mul3A_314, %dma_start3A_317] : memref<40x128xf32, #tpu.memory_space<vmem_shared>> -> memref<8x128xf32, #tpu.memory_space<vmem_shared>>
        tpu.enqueue_dma source(%arg7 : memref<8x128xf32, #tpu.memory_space<vmem>>) target(%dma_start3A_318 : memref<8x128xf32, #tpu.memory_space<vmem_shared>>) target_semaphore(%run_scoped3A : memref<!tpu.dma_semaphore, #tpu.memory_space<semaphore_mem>>)
        %dma_wait3A_319 = arith.constant 0 : i32
        %dma_wait3A_320 = tpu.memref_slice %arg8[%mul3A_314, %dma_wait3A_319] : memref<40x128xf32, #tpu.memory_space<vmem_shared>> -> memref<8x128xf32, #tpu.memory_space<vmem_shared>>
        %dma_wait3A_321 = arith.constant 0 : i32
        %dma_wait3A_322 = tpu.memref_slice %arg8[%mul3A_314, %dma_wait3A_321] : memref<40x128xf32, #tpu.memory_space<vmem_shared>> -> memref<8x128xf32, #tpu.memory_space<vmem_shared>>
        tpu.wait_dma2 semaphore(%run_scoped3A : memref<!tpu.dma_semaphore, #tpu.memory_space<semaphore_mem>>) src(%arg7 : memref<8x128xf32, #tpu.memory_space<vmem>>) dst(%dma_wait3A_322 : memref<8x128xf32, #tpu.memory_space<vmem_shared>>)
        tpu.yield
      }) : () -> ()
    } else {
    }
    %dma_wait3A = tpu.memref_slice %arg2[%mul3A_2] : memref<16384xi32, #tpu.memory_space<hbm>> -> memref<512xi32, #tpu.memory_space<hbm>>
    %dma_wait3A_6 = tpu.memref_slice %arg2[%mul3A_2] : memref<16384xi32, #tpu.memory_space<hbm>> -> memref<512xi32, #tpu.memory_space<hbm>>
    tpu.wait_dma2 semaphore(%arg11 : memref<!tpu.dma_semaphore, #tpu.memory_space<semaphore_mem>>) src(%dma_wait3A_6 : memref<512xi32, #tpu.memory_space<hbm>>) dst(%arg5 : memref<512xi32, #tpu.memory_space<vmem>>)
    %barrier3A = arith.constant 0 : index
    tpu.barrier barrier_id(%barrier3A)
    %dma_start3A_7 = arith.constant 0 : i32
    %dma_start3A_8 = arith.constant 0 : i32
    %dma_start3A_9 = tpu.memref_slice %arg6[%dma_start3A_7, %dma_start3A_8] : memref<512x128xf32, #tpu.memory_space<vmem>> -> memref<64x128xf32, #tpu.memory_space<vmem>>
    %dma_start3A_10 = arith.constant 0 : i32
    %dma_start3A_11 = tpu.memref_slice %arg5[%dma_start3A_10] : memref<512xi32, #tpu.memory_space<vmem>> -> memref<64xi32, #tpu.memory_space<vmem>>
    %dma_start3A_12 = arith.constant 0 : i32
    %dma_start3A_13 = arith.constant 0 : i32
    %dma_start3A_14 = tpu.memref_slice %arg8[%dma_start3A_12, %dma_start3A_13] : memref<40x128xf32, #tpu.memory_space<vmem_shared>> -> memref<40x128xf32, #tpu.memory_space<vmem_shared>>
    tpu.enqueue_indirect_dma source(%dma_start3A_14 : memref<40x128xf32, #tpu.memory_space<vmem_shared>>) target(%dma_start3A_9 : memref<64x128xf32, #tpu.memory_space<vmem>>) offsets(%dma_start3A_11 : memref<64xi32, #tpu.memory_space<vmem>>) semaphore(%arg9 : memref<!tpu.dma_semaphore, #tpu.memory_space<semaphore_mem>>)
    %dma_start3A_15 = arith.constant 64 : i32
    %dma_start3A_16 = arith.constant 0 : i32
    %dma_start3A_17 = tpu.memref_slice %arg6[%dma_start3A_15, %dma_start3A_16] : memref<512x128xf32, #tpu.memory_space<vmem>> -> memref<64x128xf32, #tpu.memory_space<vmem>>
    %dma_start3A_18 = arith.constant 64 : i32
    %dma_start3A_19 = tpu.memref_slice %arg5[%dma_start3A_18] : memref<512xi32, #tpu.memory_space<vmem>> -> memref<64xi32, #tpu.memory_space<vmem>>
    %dma_start3A_20 = arith.constant 0 : i32
    %dma_start3A_21 = arith.constant 0 : i32
    %dma_start3A_22 = tpu.memref_slice %arg8[%dma_start3A_20, %dma_start3A_21] : memref<40x128xf32, #tpu.memory_space<vmem_shared>> -> memref<40x128xf32, #tpu.memory_space<vmem_shared>>
    tpu.enqueue_indirect_dma source(%dma_start3A_22 : memref<40x128xf32, #tpu.memory_space<vmem_shared>>) target(%dma_start3A_17 : memref<64x128xf32, #tpu.memory_space<vmem>>) offsets(%dma_start3A_19 : memref<64xi32, #tpu.memory_space<vmem>>) semaphore(%arg9 : memref<!tpu.dma_semaphore, #tpu.memory_space<semaphore_mem>>)
    %dma_start3A_23 = arith.constant 128 : i32
    %dma_start3A_24 = arith.constant 0 : i32
    %dma_start3A_25 = tpu.memref_slice %arg6[%dma_start3A_23, %dma_start3A_24] : memref<512x128xf32, #tpu.memory_space<vmem>> -> memref<64x128xf32, #tpu.memory_space<vmem>>
    %dma_start3A_26 = arith.constant 128 : i32
    %dma_start3A_27 = tpu.memref_slice %arg5[%dma_start3A_26] : memref<512xi32, #tpu.memory_space<vmem>> -> memref<64xi32, #tpu.memory_space<vmem>>
    %dma_start3A_28 = arith.constant 0 : i32
    %dma_start3A_29 = arith.constant 0 : i32
    %dma_start3A_30 = tpu.memref_slice %arg8[%dma_start3A_28, %dma_start3A_29] : memref<40x128xf32, #tpu.memory_space<vmem_shared>> -> memref<40x128xf32, #tpu.memory_space<vmem_shared>>
    tpu.enqueue_indirect_dma source(%dma_start3A_30 : memref<40x128xf32, #tpu.memory_space<vmem_shared>>) target(%dma_start3A_25 : memref<64x128xf32, #tpu.memory_space<vmem>>) offsets(%dma_start3A_27 : memref<64xi32, #tpu.memory_space<vmem>>) semaphore(%arg9 : memref<!tpu.dma_semaphore, #tpu.memory_space<semaphore_mem>>)
    %dma_start3A_31 = arith.constant 192 : i32
    %dma_start3A_32 = arith.constant 0 : i32
    %dma_start3A_33 = tpu.memref_slice %arg6[%dma_start3A_31, %dma_start3A_32] : memref<512x128xf32, #tpu.memory_space<vmem>> -> memref<64x128xf32, #tpu.memory_space<vmem>>
    %dma_start3A_34 = arith.constant 192 : i32
    %dma_start3A_35 = tpu.memref_slice %arg5[%dma_start3A_34] : memref<512xi32, #tpu.memory_space<vmem>> -> memref<64xi32, #tpu.memory_space<vmem>>
    %dma_start3A_36 = arith.constant 0 : i32
    %dma_start3A_37 = arith.constant 0 : i32
    %dma_start3A_38 = tpu.memref_slice %arg8[%dma_start3A_36, %dma_start3A_37] : memref<40x128xf32, #tpu.memory_space<vmem_shared>> -> memref<40x128xf32, #tpu.memory_space<vmem_shared>>
    tpu.enqueue_indirect_dma source(%dma_start3A_38 : memref<40x128xf32, #tpu.memory_space<vmem_shared>>) target(%dma_start3A_33 : memref<64x128xf32, #tpu.memory_space<vmem>>) offsets(%dma_start3A_35 : memref<64xi32, #tpu.memory_space<vmem>>) semaphore(%arg9 : memref<!tpu.dma_semaphore, #tpu.memory_space<semaphore_mem>>)
    %dma_start3A_39 = arith.constant 256 : i32
    %dma_start3A_40 = arith.constant 0 : i32
    %dma_start3A_41 = tpu.memref_slice %arg6[%dma_start3A_39, %dma_start3A_40] : memref<512x128xf32, #tpu.memory_space<vmem>> -> memref<64x128xf32, #tpu.memory_space<vmem>>
    %dma_start3A_42 = arith.constant 256 : i32
    %dma_start3A_43 = tpu.memref_slice %arg5[%dma_start3A_42] : memref<512xi32, #tpu.memory_space<vmem>> -> memref<64xi32, #tpu.memory_space<vmem>>
    %dma_start3A_44 = arith.constant 0 : i32
    %dma_start3A_45 = arith.constant 0 : i32
    %dma_start3A_46 = tpu.memref_slice %arg8[%dma_start3A_44, %dma_start3A_45] : memref<40x128xf32, #tpu.memory_space<vmem_shared>> -> memref<40x128xf32, #tpu.memory_space<vmem_shared>>
    tpu.enqueue_indirect_dma source(%dma_start3A_46 : memref<40x128xf32, #tpu.memory_space<vmem_shared>>) target(%dma_start3A_41 : memref<64x128xf32, #tpu.memory_space<vmem>>) offsets(%dma_start3A_43 : memref<64xi32, #tpu.memory_space<vmem>>) semaphore(%arg9 : memref<!tpu.dma_semaphore, #tpu.memory_space<semaphore_mem>>)
    %dma_start3A_47 = arith.constant 320 : i32
    %dma_start3A_48 = arith.constant 0 : i32
    %dma_start3A_49 = tpu.memref_slice %arg6[%dma_start3A_47, %dma_start3A_48] : memref<512x128xf32, #tpu.memory_space<vmem>> -> memref<64x128xf32, #tpu.memory_space<vmem>>
    %dma_start3A_50 = arith.constant 320 : i32
    %dma_start3A_51 = tpu.memref_slice %arg5[%dma_start3A_50] : memref<512xi32, #tpu.memory_space<vmem>> -> memref<64xi32, #tpu.memory_space<vmem>>
    %dma_start3A_52 = arith.constant 0 : i32
    %dma_start3A_53 = arith.constant 0 : i32
    %dma_start3A_54 = tpu.memref_slice %arg8[%dma_start3A_52, %dma_start3A_53] : memref<40x128xf32, #tpu.memory_space<vmem_shared>> -> memref<40x128xf32, #tpu.memory_space<vmem_shared>>
    tpu.enqueue_indirect_dma source(%dma_start3A_54 : memref<40x128xf32, #tpu.memory_space<vmem_shared>>) target(%dma_start3A_49 : memref<64x128xf32, #tpu.memory_space<vmem>>) offsets(%dma_start3A_51 : memref<64xi32, #tpu.memory_space<vmem>>) semaphore(%arg9 : memref<!tpu.dma_semaphore, #tpu.memory_space<semaphore_mem>>)
    %dma_start3A_55 = arith.constant 384 : i32
    %dma_start3A_56 = arith.constant 0 : i32
    %dma_start3A_57 = tpu.memref_slice %arg6[%dma_start3A_55, %dma_start3A_56] : memref<512x128xf32, #tpu.memory_space<vmem>> -> memref<64x128xf32, #tpu.memory_space<vmem>>
    %dma_start3A_58 = arith.constant 384 : i32
    %dma_start3A_59 = tpu.memref_slice %arg5[%dma_start3A_58] : memref<512xi32, #tpu.memory_space<vmem>> -> memref<64xi32, #tpu.memory_space<vmem>>
    %dma_start3A_60 = arith.constant 0 : i32
    %dma_start3A_61 = arith.constant 0 : i32
    %dma_start3A_62 = tpu.memref_slice %arg8[%dma_start3A_60, %dma_start3A_61] : memref<40x128xf32, #tpu.memory_space<vmem_shared>> -> memref<40x128xf32, #tpu.memory_space<vmem_shared>>
    tpu.enqueue_indirect_dma source(%dma_start3A_62 : memref<40x128xf32, #tpu.memory_space<vmem_shared>>) target(%dma_start3A_57 : memref<64x128xf32, #tpu.memory_space<vmem>>) offsets(%dma_start3A_59 : memref<64xi32, #tpu.memory_space<vmem>>) semaphore(%arg9 : memref<!tpu.dma_semaphore, #tpu.memory_space<semaphore_mem>>)
    %dma_start3A_63 = arith.constant 448 : i32
    %dma_start3A_64 = arith.constant 0 : i32
    %dma_start3A_65 = tpu.memref_slice %arg6[%dma_start3A_63, %dma_start3A_64] : memref<512x128xf32, #tpu.memory_space<vmem>> -> memref<64x128xf32, #tpu.memory_space<vmem>>
    %dma_start3A_66 = arith.constant 448 : i32
    %dma_start3A_67 = tpu.memref_slice %arg5[%dma_start3A_66] : memref<512xi32, #tpu.memory_space<vmem>> -> memref<64xi32, #tpu.memory_space<vmem>>
    %dma_start3A_68 = arith.constant 0 : i32
    %dma_start3A_69 = arith.constant 0 : i32
    %dma_start3A_70 = tpu.memref_slice %arg8[%dma_start3A_68, %dma_start3A_69] : memref<40x128xf32, #tpu.memory_space<vmem_shared>> -> memref<40x128xf32, #tpu.memory_space<vmem_shared>>
    tpu.enqueue_indirect_dma source(%dma_start3A_70 : memref<40x128xf32, #tpu.memory_space<vmem_shared>>) target(%dma_start3A_65 : memref<64x128xf32, #tpu.memory_space<vmem>>) offsets(%dma_start3A_67 : memref<64xi32, #tpu.memory_space<vmem>>) semaphore(%arg9 : memref<!tpu.dma_semaphore, #tpu.memory_space<semaphore_mem>>)
    %dma_wait3A_71 = arith.constant 0 : i32
    %dma_wait3A_72 = arith.constant 0 : i32
    %dma_wait3A_73 = tpu.memref_slice %arg6[%dma_wait3A_71, %dma_wait3A_72] : memref<512x128xf32, #tpu.memory_space<vmem>> -> memref<64x128xf32, #tpu.memory_space<vmem>>
    %dma_wait3A_74 = arith.constant 0 : i32
    %dma_wait3A_75 = tpu.memref_slice %arg5[%dma_wait3A_74] : memref<512xi32, #tpu.memory_space<vmem>> -> memref<64xi32, #tpu.memory_space<vmem>>
    %dma_wait3A_76 = arith.constant 0 : i32
    %dma_wait3A_77 = arith.constant 0 : i32
    %dma_wait3A_78 = tpu.memref_slice %arg8[%dma_wait3A_76, %dma_wait3A_77] : memref<40x128xf32, #tpu.memory_space<vmem_shared>> -> memref<40x128xf32, #tpu.memory_space<vmem_shared>>
    tpu.wait_indirect_dma semaphore(%arg9 : memref<!tpu.dma_semaphore, #tpu.memory_space<semaphore_mem>>) src(%dma_wait3A_78 : memref<40x128xf32, #tpu.memory_space<vmem_shared>>) dst(%dma_wait3A_73 : memref<64x128xf32, #tpu.memory_space<vmem>>)
    %add3A_79 = arith.constant 0 : i32
    %add3A_80 = arith.addi %mul3A_2, %add3A_79 : i32
    %dma_start3A_81 = arith.constant 0 : i32
    %dma_start3A_82 = arith.constant 0 : i32
    %dma_start3A_83 = tpu.memref_slice %arg6[%dma_start3A_81, %dma_start3A_82] : memref<512x128xf32, #tpu.memory_space<vmem>> -> memref<64x128xf32, #tpu.memory_space<vmem>>
    %dma_start3A_84 = arith.constant 0 : i32
    %dma_start3A_85 = tpu.memref_slice %arg4[%add3A_80, %dma_start3A_84] : memref<16384x128xf32, #tpu.memory_space<hbm>> -> memref<64x128xf32, #tpu.memory_space<hbm>>
    %dma_start3A_86 = arith.constant 0 : i32
    %dma_start3A_87 = tpu.memref_slice %arg4[%add3A_80, %dma_start3A_86] : memref<16384x128xf32, #tpu.memory_space<hbm>> -> memref<64x128xf32, #tpu.memory_space<hbm>>
    %dma_start3A_88 = arith.constant 0 : i32
    %dma_start3A_89 = arith.constant 0 : i32
    %dma_start3A_90 = tpu.memref_slice %arg6[%dma_start3A_88, %dma_start3A_89] : memref<512x128xf32, #tpu.memory_space<vmem>> -> memref<64x128xf32, #tpu.memory_space<vmem>>
    tpu.enqueue_dma source(%dma_start3A_90 : memref<64x128xf32, #tpu.memory_space<vmem>>) target(%dma_start3A_87 : memref<64x128xf32, #tpu.memory_space<hbm>>) target_semaphore(%arg10 : memref<!tpu.dma_semaphore, #tpu.memory_space<semaphore_mem>>)
    %dma_wait3A_91 = arith.constant 64 : i32
    %dma_wait3A_92 = arith.constant 0 : i32
    %dma_wait3A_93 = tpu.memref_slice %arg6[%dma_wait3A_91, %dma_wait3A_92] : memref<512x128xf32, #tpu.memory_space<vmem>> -> memref<64x128xf32, #tpu.memory_space<vmem>>
    %dma_wait3A_94 = arith.constant 64 : i32
    %dma_wait3A_95 = tpu.memref_slice %arg5[%dma_wait3A_94] : memref<512xi32, #tpu.memory_space<vmem>> -> memref<64xi32, #tpu.memory_space<vmem>>
    %dma_wait3A_96 = arith.constant 0 : i32
    %dma_wait3A_97 = arith.constant 0 : i32
    %dma_wait3A_98 = tpu.memref_slice %arg8[%dma_wait3A_96, %dma_wait3A_97] : memref<40x128xf32, #tpu.memory_space<vmem_shared>> -> memref<40x128xf32, #tpu.memory_space<vmem_shared>>
    tpu.wait_indirect_dma semaphore(%arg9 : memref<!tpu.dma_semaphore, #tpu.memory_space<semaphore_mem>>) src(%dma_wait3A_98 : memref<40x128xf32, #tpu.memory_space<vmem_shared>>) dst(%dma_wait3A_93 : memref<64x128xf32, #tpu.memory_space<vmem>>)
    %add3A_99 = arith.constant 64 : i32
    %add3A_100 = arith.addi %mul3A_2, %add3A_99 : i32
    %dma_start3A_101 = arith.constant 64 : i32
    %dma_start3A_102 = arith.constant 0 : i32
    %dma_start3A_103 = tpu.memref_slice %arg6[%dma_start3A_101, %dma_start3A_102] : memref<512x128xf32, #tpu.memory_space<vmem>> -> memref<64x128xf32, #tpu.memory_space<vmem>>
    %dma_start3A_104 = arith.constant 0 : i32
    %dma_start3A_105 = tpu.memref_slice %arg4[%add3A_100, %dma_start3A_104] : memref<16384x128xf32, #tpu.memory_space<hbm>> -> memref<64x128xf32, #tpu.memory_space<hbm>>
    %dma_start3A_106 = arith.constant 0 : i32
    %dma_start3A_107 = tpu.memref_slice %arg4[%add3A_100, %dma_start3A_106] : memref<16384x128xf32, #tpu.memory_space<hbm>> -> memref<64x128xf32, #tpu.memory_space<hbm>>
    %dma_start3A_108 = arith.constant 64 : i32
    %dma_start3A_109 = arith.constant 0 : i32
    %dma_start3A_110 = tpu.memref_slice %arg6[%dma_start3A_108, %dma_start3A_109] : memref<512x128xf32, #tpu.memory_space<vmem>> -> memref<64x128xf32, #tpu.memory_space<vmem>>
    tpu.enqueue_dma source(%dma_start3A_110 : memref<64x128xf32, #tpu.memory_space<vmem>>) target(%dma_start3A_107 : memref<64x128xf32, #tpu.memory_space<hbm>>) target_semaphore(%arg10 : memref<!tpu.dma_semaphore, #tpu.memory_space<semaphore_mem>>)
    %dma_wait3A_111 = arith.constant 128 : i32
    %dma_wait3A_112 = arith.constant 0 : i32
    %dma_wait3A_113 = tpu.memref_slice %arg6[%dma_wait3A_111, %dma_wait3A_112] : memref<512x128xf32, #tpu.memory_space<vmem>> -> memref<64x128xf32, #tpu.memory_space<vmem>>
    %dma_wait3A_114 = arith.constant 128 : i32
    %dma_wait3A_115 = tpu.memref_slice %arg5[%dma_wait3A_114] : memref<512xi32, #tpu.memory_space<vmem>> -> memref<64xi32, #tpu.memory_space<vmem>>
    %dma_wait3A_116 = arith.constant 0 : i32
    %dma_wait3A_117 = arith.constant 0 : i32
    %dma_wait3A_118 = tpu.memref_slice %arg8[%dma_wait3A_116, %dma_wait3A_117] : memref<40x128xf32, #tpu.memory_space<vmem_shared>> -> memref<40x128xf32, #tpu.memory_space<vmem_shared>>
    tpu.wait_indirect_dma semaphore(%arg9 : memref<!tpu.dma_semaphore, #tpu.memory_space<semaphore_mem>>) src(%dma_wait3A_118 : memref<40x128xf32, #tpu.memory_space<vmem_shared>>) dst(%dma_wait3A_113 : memref<64x128xf32, #tpu.memory_space<vmem>>)
    %add3A_119 = arith.constant 128 : i32
    %add3A_120 = arith.addi %mul3A_2, %add3A_119 : i32
    %dma_start3A_121 = arith.constant 128 : i32
    %dma_start3A_122 = arith.constant 0 : i32
    %dma_start3A_123 = tpu.memref_slice %arg6[%dma_start3A_121, %dma_start3A_122] : memref<512x128xf32, #tpu.memory_space<vmem>> -> memref<64x128xf32, #tpu.memory_space<vmem>>
    %dma_start3A_124 = arith.constant 0 : i32
    %dma_start3A_125 = tpu.memref_slice %arg4[%add3A_120, %dma_start3A_124] : memref<16384x128xf32, #tpu.memory_space<hbm>> -> memref<64x128xf32, #tpu.memory_space<hbm>>
    %dma_start3A_126 = arith.constant 0 : i32
    %dma_start3A_127 = tpu.memref_slice %arg4[%add3A_120, %dma_start3A_126] : memref<16384x128xf32, #tpu.memory_space<hbm>> -> memref<64x128xf32, #tpu.memory_space<hbm>>
    %dma_start3A_128 = arith.constant 128 : i32
    %dma_start3A_129 = arith.constant 0 : i32
    %dma_start3A_130 = tpu.memref_slice %arg6[%dma_start3A_128, %dma_start3A_129] : memref<512x128xf32, #tpu.memory_space<vmem>> -> memref<64x128xf32, #tpu.memory_space<vmem>>
    tpu.enqueue_dma source(%dma_start3A_130 : memref<64x128xf32, #tpu.memory_space<vmem>>) target(%dma_start3A_127 : memref<64x128xf32, #tpu.memory_space<hbm>>) target_semaphore(%arg10 : memref<!tpu.dma_semaphore, #tpu.memory_space<semaphore_mem>>)
    %dma_wait3A_131 = arith.constant 192 : i32
    %dma_wait3A_132 = arith.constant 0 : i32
    %dma_wait3A_133 = tpu.memref_slice %arg6[%dma_wait3A_131, %dma_wait3A_132] : memref<512x128xf32, #tpu.memory_space<vmem>> -> memref<64x128xf32, #tpu.memory_space<vmem>>
    %dma_wait3A_134 = arith.constant 192 : i32
    %dma_wait3A_135 = tpu.memref_slice %arg5[%dma_wait3A_134] : memref<512xi32, #tpu.memory_space<vmem>> -> memref<64xi32, #tpu.memory_space<vmem>>
    %dma_wait3A_136 = arith.constant 0 : i32
    %dma_wait3A_137 = arith.constant 0 : i32
    %dma_wait3A_138 = tpu.memref_slice %arg8[%dma_wait3A_136, %dma_wait3A_137] : memref<40x128xf32, #tpu.memory_space<vmem_shared>> -> memref<40x128xf32, #tpu.memory_space<vmem_shared>>
    tpu.wait_indirect_dma semaphore(%arg9 : memref<!tpu.dma_semaphore, #tpu.memory_space<semaphore_mem>>) src(%dma_wait3A_138 : memref<40x128xf32, #tpu.memory_space<vmem_shared>>) dst(%dma_wait3A_133 : memref<64x128xf32, #tpu.memory_space<vmem>>)
    %add3A_139 = arith.constant 192 : i32
    %add3A_140 = arith.addi %mul3A_2, %add3A_139 : i32
    %dma_start3A_141 = arith.constant 192 : i32
    %dma_start3A_142 = arith.constant 0 : i32
    %dma_start3A_143 = tpu.memref_slice %arg6[%dma_start3A_141, %dma_start3A_142] : memref<512x128xf32, #tpu.memory_space<vmem>> -> memref<64x128xf32, #tpu.memory_space<vmem>>
    %dma_start3A_144 = arith.constant 0 : i32
    %dma_start3A_145 = tpu.memref_slice %arg4[%add3A_140, %dma_start3A_144] : memref<16384x128xf32, #tpu.memory_space<hbm>> -> memref<64x128xf32, #tpu.memory_space<hbm>>
    %dma_start3A_146 = arith.constant 0 : i32
    %dma_start3A_147 = tpu.memref_slice %arg4[%add3A_140, %dma_start3A_146] : memref<16384x128xf32, #tpu.memory_space<hbm>> -> memref<64x128xf32, #tpu.memory_space<hbm>>
    %dma_start3A_148 = arith.constant 192 : i32
    %dma_start3A_149 = arith.constant 0 : i32
    %dma_start3A_150 = tpu.memref_slice %arg6[%dma_start3A_148, %dma_start3A_149] : memref<512x128xf32, #tpu.memory_space<vmem>> -> memref<64x128xf32, #tpu.memory_space<vmem>>
    tpu.enqueue_dma source(%dma_start3A_150 : memref<64x128xf32, #tpu.memory_space<vmem>>) target(%dma_start3A_147 : memref<64x128xf32, #tpu.memory_space<hbm>>) target_semaphore(%arg10 : memref<!tpu.dma_semaphore, #tpu.memory_space<semaphore_mem>>)
    %dma_wait3A_151 = arith.constant 256 : i32
    %dma_wait3A_152 = arith.constant 0 : i32
    %dma_wait3A_153 = tpu.memref_slice %arg6[%dma_wait3A_151, %dma_wait3A_152] : memref<512x128xf32, #tpu.memory_space<vmem>> -> memref<64x128xf32, #tpu.memory_space<vmem>>
    %dma_wait3A_154 = arith.constant 256 : i32
    %dma_wait3A_155 = tpu.memref_slice %arg5[%dma_wait3A_154] : memref<512xi32, #tpu.memory_space<vmem>> -> memref<64xi32, #tpu.memory_space<vmem>>
    %dma_wait3A_156 = arith.constant 0 : i32
    %dma_wait3A_157 = arith.constant 0 : i32
    %dma_wait3A_158 = tpu.memref_slice %arg8[%dma_wait3A_156, %dma_wait3A_157] : memref<40x128xf32, #tpu.memory_space<vmem_shared>> -> memref<40x128xf32, #tpu.memory_space<vmem_shared>>
    tpu.wait_indirect_dma semaphore(%arg9 : memref<!tpu.dma_semaphore, #tpu.memory_space<semaphore_mem>>) src(%dma_wait3A_158 : memref<40x128xf32, #tpu.memory_space<vmem_shared>>) dst(%dma_wait3A_153 : memref<64x128xf32, #tpu.memory_space<vmem>>)
    %add3A_159 = arith.constant 256 : i32
    %add3A_160 = arith.addi %mul3A_2, %add3A_159 : i32
    %dma_start3A_161 = arith.constant 256 : i32
    %dma_start3A_162 = arith.constant 0 : i32
    %dma_start3A_163 = tpu.memref_slice %arg6[%dma_start3A_161, %dma_start3A_162] : memref<512x128xf32, #tpu.memory_space<vmem>> -> memref<64x128xf32, #tpu.memory_space<vmem>>
    %dma_start3A_164 = arith.constant 0 : i32
    %dma_start3A_165 = tpu.memref_slice %arg4[%add3A_160, %dma_start3A_164] : memref<16384x128xf32, #tpu.memory_space<hbm>> -> memref<64x128xf32, #tpu.memory_space<hbm>>
    %dma_start3A_166 = arith.constant 0 : i32
    %dma_start3A_167 = tpu.memref_slice %arg4[%add3A_160, %dma_start3A_166] : memref<16384x128xf32, #tpu.memory_space<hbm>> -> memref<64x128xf32, #tpu.memory_space<hbm>>
    %dma_start3A_168 = arith.constant 256 : i32
    %dma_start3A_169 = arith.constant 0 : i32
    %dma_start3A_170 = tpu.memref_slice %arg6[%dma_start3A_168, %dma_start3A_169] : memref<512x128xf32, #tpu.memory_space<vmem>> -> memref<64x128xf32, #tpu.memory_space<vmem>>
    tpu.enqueue_dma source(%dma_start3A_170 : memref<64x128xf32, #tpu.memory_space<vmem>>) target(%dma_start3A_167 : memref<64x128xf32, #tpu.memory_space<hbm>>) target_semaphore(%arg10 : memref<!tpu.dma_semaphore, #tpu.memory_space<semaphore_mem>>)
    %dma_wait3A_171 = arith.constant 320 : i32
    %dma_wait3A_172 = arith.constant 0 : i32
    %dma_wait3A_173 = tpu.memref_slice %arg6[%dma_wait3A_171, %dma_wait3A_172] : memref<512x128xf32, #tpu.memory_space<vmem>> -> memref<64x128xf32, #tpu.memory_space<vmem>>
    %dma_wait3A_174 = arith.constant 320 : i32
    %dma_wait3A_175 = tpu.memref_slice %arg5[%dma_wait3A_174] : memref<512xi32, #tpu.memory_space<vmem>> -> memref<64xi32, #tpu.memory_space<vmem>>
    %dma_wait3A_176 = arith.constant 0 : i32
    %dma_wait3A_177 = arith.constant 0 : i32
    %dma_wait3A_178 = tpu.memref_slice %arg8[%dma_wait3A_176, %dma_wait3A_177] : memref<40x128xf32, #tpu.memory_space<vmem_shared>> -> memref<40x128xf32, #tpu.memory_space<vmem_shared>>
    tpu.wait_indirect_dma semaphore(%arg9 : memref<!tpu.dma_semaphore, #tpu.memory_space<semaphore_mem>>) src(%dma_wait3A_178 : memref<40x128xf32, #tpu.memory_space<vmem_shared>>) dst(%dma_wait3A_173 : memref<64x128xf32, #tpu.memory_space<vmem>>)
    %add3A_179 = arith.constant 320 : i32
    %add3A_180 = arith.addi %mul3A_2, %add3A_179 : i32
    %dma_start3A_181 = arith.constant 320 : i32
    %dma_start3A_182 = arith.constant 0 : i32
    %dma_start3A_183 = tpu.memref_slice %arg6[%dma_start3A_181, %dma_start3A_182] : memref<512x128xf32, #tpu.memory_space<vmem>> -> memref<64x128xf32, #tpu.memory_space<vmem>>
    %dma_start3A_184 = arith.constant 0 : i32
    %dma_start3A_185 = tpu.memref_slice %arg4[%add3A_180, %dma_start3A_184] : memref<16384x128xf32, #tpu.memory_space<hbm>> -> memref<64x128xf32, #tpu.memory_space<hbm>>
    %dma_start3A_186 = arith.constant 0 : i32
    %dma_start3A_187 = tpu.memref_slice %arg4[%add3A_180, %dma_start3A_186] : memref<16384x128xf32, #tpu.memory_space<hbm>> -> memref<64x128xf32, #tpu.memory_space<hbm>>
    %dma_start3A_188 = arith.constant 320 : i32
    %dma_start3A_189 = arith.constant 0 : i32
    %dma_start3A_190 = tpu.memref_slice %arg6[%dma_start3A_188, %dma_start3A_189] : memref<512x128xf32, #tpu.memory_space<vmem>> -> memref<64x128xf32, #tpu.memory_space<vmem>>
    tpu.enqueue_dma source(%dma_start3A_190 : memref<64x128xf32, #tpu.memory_space<vmem>>) target(%dma_start3A_187 : memref<64x128xf32, #tpu.memory_space<hbm>>) target_semaphore(%arg10 : memref<!tpu.dma_semaphore, #tpu.memory_space<semaphore_mem>>)
    %dma_wait3A_191 = arith.constant 384 : i32
    %dma_wait3A_192 = arith.constant 0 : i32
    %dma_wait3A_193 = tpu.memref_slice %arg6[%dma_wait3A_191, %dma_wait3A_192] : memref<512x128xf32, #tpu.memory_space<vmem>> -> memref<64x128xf32, #tpu.memory_space<vmem>>
    %dma_wait3A_194 = arith.constant 384 : i32
    %dma_wait3A_195 = tpu.memref_slice %arg5[%dma_wait3A_194] : memref<512xi32, #tpu.memory_space<vmem>> -> memref<64xi32, #tpu.memory_space<vmem>>
    %dma_wait3A_196 = arith.constant 0 : i32
    %dma_wait3A_197 = arith.constant 0 : i32
    %dma_wait3A_198 = tpu.memref_slice %arg8[%dma_wait3A_196, %dma_wait3A_197] : memref<40x128xf32, #tpu.memory_space<vmem_shared>> -> memref<40x128xf32, #tpu.memory_space<vmem_shared>>
    tpu.wait_indirect_dma semaphore(%arg9 : memref<!tpu.dma_semaphore, #tpu.memory_space<semaphore_mem>>) src(%dma_wait3A_198 : memref<40x128xf32, #tpu.memory_space<vmem_shared>>) dst(%dma_wait3A_193 : memref<64x128xf32, #tpu.memory_space<vmem>>)
    %add3A_199 = arith.constant 384 : i32
    %add3A_200 = arith.addi %mul3A_2, %add3A_199 : i32
    %dma_start3A_201 = arith.constant 384 : i32
    %dma_start3A_202 = arith.constant 0 : i32
    %dma_start3A_203 = tpu.memref_slice %arg6[%dma_start3A_201, %dma_start3A_202] : memref<512x128xf32, #tpu.memory_space<vmem>> -> memref<64x128xf32, #tpu.memory_space<vmem>>
    %dma_start3A_204 = arith.constant 0 : i32
    %dma_start3A_205 = tpu.memref_slice %arg4[%add3A_200, %dma_start3A_204] : memref<16384x128xf32, #tpu.memory_space<hbm>> -> memref<64x128xf32, #tpu.memory_space<hbm>>
    %dma_start3A_206 = arith.constant 0 : i32
    %dma_start3A_207 = tpu.memref_slice %arg4[%add3A_200, %dma_start3A_206] : memref<16384x128xf32, #tpu.memory_space<hbm>> -> memref<64x128xf32, #tpu.memory_space<hbm>>
    %dma_start3A_208 = arith.constant 384 : i32
    %dma_start3A_209 = arith.constant 0 : i32
    %dma_start3A_210 = tpu.memref_slice %arg6[%dma_start3A_208, %dma_start3A_209] : memref<512x128xf32, #tpu.memory_space<vmem>> -> memref<64x128xf32, #tpu.memory_space<vmem>>
    tpu.enqueue_dma source(%dma_start3A_210 : memref<64x128xf32, #tpu.memory_space<vmem>>) target(%dma_start3A_207 : memref<64x128xf32, #tpu.memory_space<hbm>>) target_semaphore(%arg10 : memref<!tpu.dma_semaphore, #tpu.memory_space<semaphore_mem>>)
    %dma_wait3A_211 = arith.constant 448 : i32
    %dma_wait3A_212 = arith.constant 0 : i32
    %dma_wait3A_213 = tpu.memref_slice %arg6[%dma_wait3A_211, %dma_wait3A_212] : memref<512x128xf32, #tpu.memory_space<vmem>> -> memref<64x128xf32, #tpu.memory_space<vmem>>
    %dma_wait3A_214 = arith.constant 448 : i32
    %dma_wait3A_215 = tpu.memref_slice %arg5[%dma_wait3A_214] : memref<512xi32, #tpu.memory_space<vmem>> -> memref<64xi32, #tpu.memory_space<vmem>>
    %dma_wait3A_216 = arith.constant 0 : i32
    %dma_wait3A_217 = arith.constant 0 : i32
    %dma_wait3A_218 = tpu.memref_slice %arg8[%dma_wait3A_216, %dma_wait3A_217] : memref<40x128xf32, #tpu.memory_space<vmem_shared>> -> memref<40x128xf32, #tpu.memory_space<vmem_shared>>
    tpu.wait_indirect_dma semaphore(%arg9 : memref<!tpu.dma_semaphore, #tpu.memory_space<semaphore_mem>>) src(%dma_wait3A_218 : memref<40x128xf32, #tpu.memory_space<vmem_shared>>) dst(%dma_wait3A_213 : memref<64x128xf32, #tpu.memory_space<vmem>>)
    %add3A_219 = arith.constant 448 : i32
    %add3A_220 = arith.addi %mul3A_2, %add3A_219 : i32
    %dma_start3A_221 = arith.constant 448 : i32
    %dma_start3A_222 = arith.constant 0 : i32
    %dma_start3A_223 = tpu.memref_slice %arg6[%dma_start3A_221, %dma_start3A_222] : memref<512x128xf32, #tpu.memory_space<vmem>> -> memref<64x128xf32, #tpu.memory_space<vmem>>
    %dma_start3A_224 = arith.constant 0 : i32
    %dma_start3A_225 = tpu.memref_slice %arg4[%add3A_220, %dma_start3A_224] : memref<16384x128xf32, #tpu.memory_space<hbm>> -> memref<64x128xf32, #tpu.memory_space<hbm>>
    %dma_start3A_226 = arith.constant 0 : i32
    %dma_start3A_227 = tpu.memref_slice %arg4[%add3A_220, %dma_start3A_226] : memref<16384x128xf32, #tpu.memory_space<hbm>> -> memref<64x128xf32, #tpu.memory_space<hbm>>
    %dma_start3A_228 = arith.constant 448 : i32
    %dma_start3A_229 = arith.constant 0 : i32
    %dma_start3A_230 = tpu.memref_slice %arg6[%dma_start3A_228, %dma_start3A_229] : memref<512x128xf32, #tpu.memory_space<vmem>> -> memref<64x128xf32, #tpu.memory_space<vmem>>
    tpu.enqueue_dma source(%dma_start3A_230 : memref<64x128xf32, #tpu.memory_space<vmem>>) target(%dma_start3A_227 : memref<64x128xf32, #tpu.memory_space<hbm>>) target_semaphore(%arg10 : memref<!tpu.dma_semaphore, #tpu.memory_space<semaphore_mem>>)
    %dma_wait3A_231 = arith.constant 0 : i32
    %dma_wait3A_232 = arith.constant 0 : i32
    %dma_wait3A_233 = tpu.memref_slice %arg6[%dma_wait3A_231, %dma_wait3A_232] : memref<512x128xf32, #tpu.memory_space<vmem>> -> memref<64x128xf32, #tpu.memory_space<vmem>>
    %dma_wait3A_234 = arith.constant 0 : i32
    %dma_wait3A_235 = tpu.memref_slice %arg4[%add3A_80, %dma_wait3A_234] : memref<16384x128xf32, #tpu.memory_space<hbm>> -> memref<64x128xf32, #tpu.memory_space<hbm>>
    %dma_wait3A_236 = arith.constant 0 : i32
    %dma_wait3A_237 = tpu.memref_slice %arg4[%add3A_80, %dma_wait3A_236] : memref<16384x128xf32, #tpu.memory_space<hbm>> -> memref<64x128xf32, #tpu.memory_space<hbm>>
    %dma_wait3A_238 = arith.constant 0 : i32
    %dma_wait3A_239 = arith.constant 0 : i32
    %dma_wait3A_240 = tpu.memref_slice %arg6[%dma_wait3A_238, %dma_wait3A_239] : memref<512x128xf32, #tpu.memory_space<vmem>> -> memref<64x128xf32, #tpu.memory_space<vmem>>
    tpu.wait_dma2 semaphore(%arg10 : memref<!tpu.dma_semaphore, #tpu.memory_space<semaphore_mem>>) src(%dma_wait3A_240 : memref<64x128xf32, #tpu.memory_space<vmem>>) dst(%dma_wait3A_237 : memref<64x128xf32, #tpu.memory_space<hbm>>)
    %dma_wait3A_241 = arith.constant 64 : i32
    %dma_wait3A_242 = arith.constant 0 : i32
    %dma_wait3A_243 = tpu.memref_slice %arg6[%dma_wait3A_241, %dma_wait3A_242] : memref<512x128xf32, #tpu.memory_space<vmem>> -> memref<64x128xf32, #tpu.memory_space<vmem>>
    %dma_wait3A_244 = arith.constant 0 : i32
    %dma_wait3A_245 = tpu.memref_slice %arg4[%add3A_100, %dma_wait3A_244] : memref<16384x128xf32, #tpu.memory_space<hbm>> -> memref<64x128xf32, #tpu.memory_space<hbm>>
    %dma_wait3A_246 = arith.constant 0 : i32
    %dma_wait3A_247 = tpu.memref_slice %arg4[%add3A_100, %dma_wait3A_246] : memref<16384x128xf32, #tpu.memory_space<hbm>> -> memref<64x128xf32, #tpu.memory_space<hbm>>
    %dma_wait3A_248 = arith.constant 64 : i32
    %dma_wait3A_249 = arith.constant 0 : i32
    %dma_wait3A_250 = tpu.memref_slice %arg6[%dma_wait3A_248, %dma_wait3A_249] : memref<512x128xf32, #tpu.memory_space<vmem>> -> memref<64x128xf32, #tpu.memory_space<vmem>>
    tpu.wait_dma2 semaphore(%arg10 : memref<!tpu.dma_semaphore, #tpu.memory_space<semaphore_mem>>) src(%dma_wait3A_250 : memref<64x128xf32, #tpu.memory_space<vmem>>) dst(%dma_wait3A_247 : memref<64x128xf32, #tpu.memory_space<hbm>>)
    %dma_wait3A_251 = arith.constant 128 : i32
    %dma_wait3A_252 = arith.constant 0 : i32
    %dma_wait3A_253 = tpu.memref_slice %arg6[%dma_wait3A_251, %dma_wait3A_252] : memref<512x128xf32, #tpu.memory_space<vmem>> -> memref<64x128xf32, #tpu.memory_space<vmem>>
    %dma_wait3A_254 = arith.constant 0 : i32
    %dma_wait3A_255 = tpu.memref_slice %arg4[%add3A_120, %dma_wait3A_254] : memref<16384x128xf32, #tpu.memory_space<hbm>> -> memref<64x128xf32, #tpu.memory_space<hbm>>
    %dma_wait3A_256 = arith.constant 0 : i32
    %dma_wait3A_257 = tpu.memref_slice %arg4[%add3A_120, %dma_wait3A_256] : memref<16384x128xf32, #tpu.memory_space<hbm>> -> memref<64x128xf32, #tpu.memory_space<hbm>>
    %dma_wait3A_258 = arith.constant 128 : i32
    %dma_wait3A_259 = arith.constant 0 : i32
    %dma_wait3A_260 = tpu.memref_slice %arg6[%dma_wait3A_258, %dma_wait3A_259] : memref<512x128xf32, #tpu.memory_space<vmem>> -> memref<64x128xf32, #tpu.memory_space<vmem>>
    tpu.wait_dma2 semaphore(%arg10 : memref<!tpu.dma_semaphore, #tpu.memory_space<semaphore_mem>>) src(%dma_wait3A_260 : memref<64x128xf32, #tpu.memory_space<vmem>>) dst(%dma_wait3A_257 : memref<64x128xf32, #tpu.memory_space<hbm>>)
    %dma_wait3A_261 = arith.constant 192 : i32
    %dma_wait3A_262 = arith.constant 0 : i32
    %dma_wait3A_263 = tpu.memref_slice %arg6[%dma_wait3A_261, %dma_wait3A_262] : memref<512x128xf32, #tpu.memory_space<vmem>> -> memref<64x128xf32, #tpu.memory_space<vmem>>
    %dma_wait3A_264 = arith.constant 0 : i32
    %dma_wait3A_265 = tpu.memref_slice %arg4[%add3A_140, %dma_wait3A_264] : memref<16384x128xf32, #tpu.memory_space<hbm>> -> memref<64x128xf32, #tpu.memory_space<hbm>>
    %dma_wait3A_266 = arith.constant 0 : i32
    %dma_wait3A_267 = tpu.memref_slice %arg4[%add3A_140, %dma_wait3A_266] : memref<16384x128xf32, #tpu.memory_space<hbm>> -> memref<64x128xf32, #tpu.memory_space<hbm>>
    %dma_wait3A_268 = arith.constant 192 : i32
    %dma_wait3A_269 = arith.constant 0 : i32
    %dma_wait3A_270 = tpu.memref_slice %arg6[%dma_wait3A_268, %dma_wait3A_269] : memref<512x128xf32, #tpu.memory_space<vmem>> -> memref<64x128xf32, #tpu.memory_space<vmem>>
    tpu.wait_dma2 semaphore(%arg10 : memref<!tpu.dma_semaphore, #tpu.memory_space<semaphore_mem>>) src(%dma_wait3A_270 : memref<64x128xf32, #tpu.memory_space<vmem>>) dst(%dma_wait3A_267 : memref<64x128xf32, #tpu.memory_space<hbm>>)
    %dma_wait3A_271 = arith.constant 256 : i32
    %dma_wait3A_272 = arith.constant 0 : i32
    %dma_wait3A_273 = tpu.memref_slice %arg6[%dma_wait3A_271, %dma_wait3A_272] : memref<512x128xf32, #tpu.memory_space<vmem>> -> memref<64x128xf32, #tpu.memory_space<vmem>>
    %dma_wait3A_274 = arith.constant 0 : i32
    %dma_wait3A_275 = tpu.memref_slice %arg4[%add3A_160, %dma_wait3A_274] : memref<16384x128xf32, #tpu.memory_space<hbm>> -> memref<64x128xf32, #tpu.memory_space<hbm>>
    %dma_wait3A_276 = arith.constant 0 : i32
    %dma_wait3A_277 = tpu.memref_slice %arg4[%add3A_160, %dma_wait3A_276] : memref<16384x128xf32, #tpu.memory_space<hbm>> -> memref<64x128xf32, #tpu.memory_space<hbm>>
    %dma_wait3A_278 = arith.constant 256 : i32
    %dma_wait3A_279 = arith.constant 0 : i32
    %dma_wait3A_280 = tpu.memref_slice %arg6[%dma_wait3A_278, %dma_wait3A_279] : memref<512x128xf32, #tpu.memory_space<vmem>> -> memref<64x128xf32, #tpu.memory_space<vmem>>
    tpu.wait_dma2 semaphore(%arg10 : memref<!tpu.dma_semaphore, #tpu.memory_space<semaphore_mem>>) src(%dma_wait3A_280 : memref<64x128xf32, #tpu.memory_space<vmem>>) dst(%dma_wait3A_277 : memref<64x128xf32, #tpu.memory_space<hbm>>)
    %dma_wait3A_281 = arith.constant 320 : i32
    %dma_wait3A_282 = arith.constant 0 : i32
    %dma_wait3A_283 = tpu.memref_slice %arg6[%dma_wait3A_281, %dma_wait3A_282] : memref<512x128xf32, #tpu.memory_space<vmem>> -> memref<64x128xf32, #tpu.memory_space<vmem>>
    %dma_wait3A_284 = arith.constant 0 : i32
    %dma_wait3A_285 = tpu.memref_slice %arg4[%add3A_180, %dma_wait3A_284] : memref<16384x128xf32, #tpu.memory_space<hbm>> -> memref<64x128xf32, #tpu.memory_space<hbm>>
    %dma_wait3A_286 = arith.constant 0 : i32
    %dma_wait3A_287 = tpu.memref_slice %arg4[%add3A_180, %dma_wait3A_286] : memref<16384x128xf32, #tpu.memory_space<hbm>> -> memref<64x128xf32, #tpu.memory_space<hbm>>
    %dma_wait3A_288 = arith.constant 320 : i32
    %dma_wait3A_289 = arith.constant 0 : i32
    %dma_wait3A_290 = tpu.memref_slice %arg6[%dma_wait3A_288, %dma_wait3A_289] : memref<512x128xf32, #tpu.memory_space<vmem>> -> memref<64x128xf32, #tpu.memory_space<vmem>>
    tpu.wait_dma2 semaphore(%arg10 : memref<!tpu.dma_semaphore, #tpu.memory_space<semaphore_mem>>) src(%dma_wait3A_290 : memref<64x128xf32, #tpu.memory_space<vmem>>) dst(%dma_wait3A_287 : memref<64x128xf32, #tpu.memory_space<hbm>>)
    %dma_wait3A_291 = arith.constant 384 : i32
    %dma_wait3A_292 = arith.constant 0 : i32
    %dma_wait3A_293 = tpu.memref_slice %arg6[%dma_wait3A_291, %dma_wait3A_292] : memref<512x128xf32, #tpu.memory_space<vmem>> -> memref<64x128xf32, #tpu.memory_space<vmem>>
    %dma_wait3A_294 = arith.constant 0 : i32
    %dma_wait3A_295 = tpu.memref_slice %arg4[%add3A_200, %dma_wait3A_294] : memref<16384x128xf32, #tpu.memory_space<hbm>> -> memref<64x128xf32, #tpu.memory_space<hbm>>
    %dma_wait3A_296 = arith.constant 0 : i32
    %dma_wait3A_297 = tpu.memref_slice %arg4[%add3A_200, %dma_wait3A_296] : memref<16384x128xf32, #tpu.memory_space<hbm>> -> memref<64x128xf32, #tpu.memory_space<hbm>>
    %dma_wait3A_298 = arith.constant 384 : i32
    %dma_wait3A_299 = arith.constant 0 : i32
    %dma_wait3A_300 = tpu.memref_slice %arg6[%dma_wait3A_298, %dma_wait3A_299] : memref<512x128xf32, #tpu.memory_space<vmem>> -> memref<64x128xf32, #tpu.memory_space<vmem>>
    tpu.wait_dma2 semaphore(%arg10 : memref<!tpu.dma_semaphore, #tpu.memory_space<semaphore_mem>>) src(%dma_wait3A_300 : memref<64x128xf32, #tpu.memory_space<vmem>>) dst(%dma_wait3A_297 : memref<64x128xf32, #tpu.memory_space<hbm>>)
    %dma_wait3A_301 = arith.constant 448 : i32
    %dma_wait3A_302 = arith.constant 0 : i32
    %dma_wait3A_303 = tpu.memref_slice %arg6[%dma_wait3A_301, %dma_wait3A_302] : memref<512x128xf32, #tpu.memory_space<vmem>> -> memref<64x128xf32, #tpu.memory_space<vmem>>
    %dma_wait3A_304 = arith.constant 0 : i32
    %dma_wait3A_305 = tpu.memref_slice %arg4[%add3A_220, %dma_wait3A_304] : memref<16384x128xf32, #tpu.memory_space<hbm>> -> memref<64x128xf32, #tpu.memory_space<hbm>>
    %dma_wait3A_306 = arith.constant 0 : i32
    %dma_wait3A_307 = tpu.memref_slice %arg4[%add3A_220, %dma_wait3A_306] : memref<16384x128xf32, #tpu.memory_space<hbm>> -> memref<64x128xf32, #tpu.memory_space<hbm>>
    %dma_wait3A_308 = arith.constant 448 : i32
    %dma_wait3A_309 = arith.constant 0 : i32
    %dma_wait3A_310 = tpu.memref_slice %arg6[%dma_wait3A_308, %dma_wait3A_309] : memref<512x128xf32, #tpu.memory_space<vmem>> -> memref<64x128xf32, #tpu.memory_space<vmem>>
    tpu.wait_dma2 semaphore(%arg10 : memref<!tpu.dma_semaphore, #tpu.memory_space<semaphore_mem>>) src(%dma_wait3A_310 : memref<64x128xf32, #tpu.memory_space<vmem>>) dst(%dma_wait3A_307 : memref<64x128xf32, #tpu.memory_space<hbm>>)
    return
  }
}

</mosaic_0001>

<sc_bundles>
// kernel: kernel.3.cloned.1.call-start
scs
__scs_entry_jumppad:
0x0: {  	(pc) =	sbr.rel $0x88, $3  }
0x1: {  	(tag) =	ssettag $0x0;
	lr =	simm.s32 $0x1  }
0x2: {  	[smem:$0x3F9F] =	sst lr;
	_ =	strace $0xD0000000  }
0x3: {  	_ = 	snop  }
0x4: {  	_ = 	snop  }
0x5: {  	_ = 	snop  }
0x6: {  	_ = 	snop  }
0x7: {  	_ = 	snop  }
__scs_overlays_trampoline_lowered:
0x8: {  	[smem:$0x3FAE] =	sst s0  }
0x9: {  	[smem:$0x3FAF] =	sst s1  }
0xa: {  	[smem:$0x3FB0] =	sst s2  }
0xb: {  	[smem:$0x3FB1] =	sst s3  }
0xc: {  	[smem:$0x3FB2] =	sst s4  }
0xd: {  	[smem:$0x3FB3] =	sst s5  }
0xe: {  	[smem:$0x3FB4] =	sst s6  }
0xf: {  	[smem:$0x3FB5] =	sst s7  }
0x10: {  	[smem:$0x3FB6] =	sst s8  }
0x11: {  	[smem:$0x3FB7] =	sst s9;
	s0 =	simm.s32 @!p0 $0x0  }
0x12: {  	s1 =	sld [smem:$0x3F9D];
	s0 =	simm.s32 @p0 $0x1  }
0x13: {  	[smem:$0x3FB8] =	sst s0;
	s0 =	simm.s32 @!p1 $0x0  }
0x14: {  	s2 =	sld [smem:$0x3F9C];
	s0 =	simm.s32 @p1 $0x1  }
0x15: {  	[smem:$0x3FB9] =	sst s0;
	s0 =	simm.s32 @!p2 $0x0  }
0x16: {  	s3 =	sld [smem:$0x3FDB];
	s0 =	simm.s32 @p2 $0x1  }
0x17: {  	s4 =	simm.s32 $0x1BF5;
	[smem:$0x3FBB] =	sst s0  }
0x18: {  	s0 =	sld [smem:$0x3F9E];
	_ =	swait.ge [sflag:s4], $0x0  }
0x19: {  	s7 =	sld [smem:$0x3F9F]  }
0x1a: {  	s8 =	sadd.s32 $0xFFFFE003, lr  }
0x1b: {  	s9 =	sadd.s32 $0xFFFFFEF7, lr;
	s5 =	simm.s32 $0xFFFFFFFF;
	p2 =	slt.u32 s8, $0xFFFFF086  }
0x1c: {  	p1 =	slt.u32 s9, $0xF7A;
	s5 =	simm.s32 @!p2 $0x0  }
0x1d: {  	s5 =	simm.s32 @p1 $0x1;
	p0 =	seq.s32 s7, s2  }
0x1e: {  	s7 =	smul.u32 @!p0 $0xF7A, s2;
	p2 =	seq.s32 @!p0 s5, $0x0  }
0x1f: {  	s9 =	smul.u32 $0xF7A, s1;
	s8 =	simm.s32 @!p0 $0x1BF5;
	p2 =	por !p2, p0  }
0x20: {  	[sflag:s8] =	ssyncset.s32 @!p0 $0xFFFFF086;
	s6 =	sadd.s32 @!p0 s3, s7;
	s7 =	simm.s32 @!p0 $0x108  }
0x21: {  	s3 =	sadd.s32 s3, s9;
	s6 =	sadd.s32 @!p0 $0x88, s6;
	s7 =	simm.s32 @p2 $0x1082  }
0x22: {  	[simem:s7], [sflag:s8] =	dma.local @!p0 [hbm:s6], $0xF7A  }
0x23: {  	s9 =	sor.u32 $0xD0000000, s2;
	s6 =	simm.s32 $0x108;
	_ =	swait.ge @!p0 [sflag:s8], $0x0  }
0x24: {  	s3 =	sadd.s32 $0x88, s3;
	s6 =	simm.s32 @!p1 $0x1082;
	[sflag:s4] =	ssyncset.s32 $0xFFFFF086  }
0x25: {  	[simem:s6], [sflag:s4] =	dma.local [hbm:s3], $0xF7A  }
0x26: {  	[smem:$0x3F9F] =	sst s1;
	(tag) =	ssettag s2;
	_ =	strace s9  }
0x27: {  	s1 =	sld [smem:$0x3FAF]  }
0x28: {  	s2 =	sld [smem:$0x3FB0]  }
0x29: {  	s4 =	sld [smem:$0x3FB2]  }
0x2a: {  	p0 =	seq.s32 s5, $0x0;
	s5 =	sld [smem:$0x3FB3]  }
0x2b: {  	s6 =	sld [smem:$0x3FB4]  }
0x2c: {  	s7 =	sld [smem:$0x3FB5]  }
0x2d: {  	s3 =	simm.s32 $0x108;
	s8 =	sld [smem:$0x3FB6]  }
0x2e: {  	s3 =	simm.s32 @!p0 $0x1082;
	s9 =	sld [smem:$0x3FB7]  }
0x2f: {  	lr =	sadd.s32 s0, s3;
	s0 =	sld [smem:$0x3FAE]  }
0x30: {  	s3 =	sld [smem:$0x3FB1]  }
0x31: {  	[smem:$0x3FBA] =	sst s10  }
0x32: {  	s10 =	sld [smem:$0x3FB8];
	_ =	sdelay $0x3  }
0x33: {  	p0 =	seq.s32 s10, $0x1;
	s10 =	sld [smem:$0x3FBA];
	_ =	sdelay $0x3  }
0x34: {  	[smem:$0x3FBA] =	sst s10  }
0x35: {  	s10 =	sld [smem:$0x3FB9];
	_ =	sdelay $0x3  }
0x36: {  	p1 =	seq.s32 s10, $0x1;
	s10 =	sld [smem:$0x3FBA];
	_ =	sdelay $0x3  }
0x37: {  	[smem:$0x3FBA] =	sst s10  }
0x38: {  	s10 =	sld [smem:$0x3FBB]  }
0x39: {  	_ = 	snop;
	(pc) =	sbr.ind lr, $3  }
0x3a: {  	_ = 	snop  }
0x3b: {  	_ = 	snop  }
0x3c: {  	p2 =	seq.s32 s10, $0x1;
	s10 =	sld [smem:$0x3FBA]  }
0x3d: {  	_ =	shalt  }
0x3e: {  	_ =	shalt  }
0x3f: {  	_ =	shalt  }
0x40: {  	_ =	shalt  }
0x41: {  	_ =	shalt  }
0x42: {  	_ =	shalt  }
0x43: {  	_ =	shalt  }
0x44: {  	_ =	shalt  }
0x45: {  	_ =	shalt  }
0x46: {  	_ =	shalt  }
0x47: {  	_ =	shalt  }
0x48: {  	_ =	shalt  }
0x49: {  	_ =	shalt  }
0x4a: {  	_ =	shalt  }
0x4b: {  	_ =	shalt  }
0x4c: {  	_ =	shalt  }
0x4d: {  	_ =	shalt  }
0x4e: {  	_ =	shalt  }
0x4f: {  	_ =	shalt  }
0x50: {  	_ =	shalt  }
0x51: {  	_ =	shalt  }
0x52: {  	_ =	shalt  }
0x53: {  	_ =	shalt  }
0x54: {  	_ =	shalt  }
0x55: {  	_ =	shalt  }
0x56: {  	_ =	shalt  }
0x57: {  	_ =	shalt  }
0x58: {  	_ =	shalt  }
0x59: {  	_ =	shalt  }
0x5a: {  	_ =	shalt  }
0x5b: {  	_ =	shalt  }
0x5c: {  	_ =	shalt  }
0x5d: {  	_ =	shalt  }
0x5e: {  	_ =	shalt  }
0x5f: {  	_ =	shalt  }
0x60: {  	_ =	shalt  }
0x61: {  	_ =	shalt  }
0x62: {  	_ =	shalt  }
0x63: {  	_ =	shalt  }
0x64: {  	_ =	shalt  }
0x65: {  	_ =	shalt  }
0x66: {  	_ =	shalt  }
0x67: {  	_ =	shalt  }
0x68: {  	_ =	shalt  }
0x69: {  	_ =	shalt  }
0x6a: {  	_ =	shalt  }
0x6b: {  	_ =	shalt  }
0x6c: {  	_ =	shalt  }
0x6d: {  	_ =	shalt  }
0x6e: {  	_ =	shalt  }
0x6f: {  	_ =	shalt  }
0x70: {  	_ =	shalt  }
0x71: {  	_ =	shalt  }
0x72: {  	_ =	shalt  }
0x73: {  	_ =	shalt  }
0x74: {  	_ =	shalt  }
0x75: {  	_ =	shalt  }
0x76: {  	_ =	shalt  }
0x77: {  	_ =	shalt  }
0x78: {  	_ =	shalt  }
0x79: {  	_ =	shalt  }
0x7a: {  	_ =	shalt  }
0x7b: {  	_ =	shalt  }
0x7c: {  	_ =	shalt  }
0x7d: {  	_ =	shalt  }
0x7e: {  	_ =	shalt  }
0x7f: {  	_ =	shalt  }
0x80: {  	_ =	shalt  }
0x81: {  	_ =	shalt  }
0x82: {  	_ =	shalt  }
0x83: {  	_ =	shalt  }
0x84: {  	_ =	shalt  }
0x85: {  	_ =	shalt  }
0x86: {  	_ =	shalt  }
0x87: {  	_ =	shalt  }
.Lfunc_end0:
.L_simem_size_0:
called_computation_lowered:
.L_overlay_start_0:
0x88: {  	s2 =	sld [smem:$0x3FD9]  }
0x89: {  	s3 =	sld [smem:$0x3FFE];
	_ =	sdelay $0x1  }
0x8a: {  	s1 =	srdreg.scid  }
0x8b: {  	s0 =	sand.u32 $0x1, s1  }
0x8c: {  	s18 =	sshll.u32 s0, $0xA;
	s2 =	sadd.s32 s3, s2  }
0x8d: {  	s2 =	sadd.s32 s2, s18  }
0x8e: {  	[smem:$0x3FC6] =	sst s2  }
0x8f: {  	_ = 	snop  }
0x90: {  	s2 =	sld [smem:$0x3FC9]  }
0x91: {  	s19 =	sld [smem:$0x3FC8]  }
0x92: {  	s4 =	sld [smem:$0x3FD0];
	(tm) =	ssettm $0x1  }
0x93: {  	s5 =	sld [smem:$0x3FFB];
	_ =	sdelay $0x3  }
0x94: {  	_ =	strace s5  }
0x95: {  	s5 =	sld [smem:$0x3FFC];
	_ =	sdelay $0x3  }
0x96: {  	_ =	strace s5  }
0x97: {  	s5 =	sld [smem:$0x3FFD];
	_ =	sdelay $0x3  }
0x98: {  	_ =	strace s5  }
0x99: {  	_ =	strace $0x8FFFFFFF  }
0x9a: {  	s20 =	sld [smem:$0x3FDB];
	_ =	sdelay $0x1  }
0x9b: {  	s6 =	simm.s32 $_scs_section_size  }
0x9c: {  	s7 =	simm.s32 $_size__tile_overlayer_lowered;
	s8 =	simm.s32 $_tile_overlayer_lowered  }
0x9d: {  	s23 =	simm.s32 $0x1BFF;
	s22 =	sshll.u32 s8, $0x1;
	s5 =	sadd.s32 s6, s20  }
0x9e: {  	s9 =	simm.s32 $0x0;
	s21 =	sshll.u32 s7, $0x1;
	s7 =	sadd.s32 s22, s5  }
0x9f: {  	[timem:s9], [sflag:s23] =	dma.local [hbm:s7], s21  }
0xa0: {  	_ =	swait.ge [sflag:s23], s21  }
0xa1: {  	s6 =	ssub.s32 $0x0, s21;
	[sflag:s23] =	ssyncset.done $0x0  }
0xa2: {  	[sflag:s23] =	ssyncadd.s32 s6;
	_ =	sdelay $0x1  }
0xa3: {  	s24 =	simm.s32 $0x1B8B  }
0xa4: {  	_ =	swait.ge [sflag:s24], $0x1  }
0xa5: {  	[sflag:s24] =	ssyncset.done $0x0  }
0xa6: {  	s25 =	simm.s32 $0x1B8E;
	[sflag:s24] =	ssyncadd.s32 $0xFFFFFFFF  }
0xa7: {  	s26 =	simm.s32 $execute0_lowered;
	[smem:$0x3FD2] =	sst s25  }
0xa8: {  	s6 =	sshll.u32 s26, $0x1;
	_ =	strace $0x80000046;
	[dreg:$0x1] =	wrdreg $0xFFFFFFFF  }
0xa9: {  	s28 =	simm.s32 $_size_execute0_lowered;
	s5 =	sadd.s32 s5, s6;
	[dreg:$0x0] =	wrdreg $0x0  }
0xaa: {  	s6 =	sshll.u32 s28, $0x1;
	[dreg:$0x2] =	wrdreg s5  }
0xab: {  	[dreg:$0x3] =	wrdreg s6  }
0xac: {  	[dreg:$0x4] =	wrdreg $0xC0  }
0xad: {  	_ =	task [dreg:s9], $0x5FFFF  }
0xae: {  	[dreg:$0x1] =	wrdreg $0xFFFFFFFF  }
0xaf: {  	[dreg:$0x0] =	wrdreg $0x60  }
0xb0: {  	[dreg:$0x2] =	wrdreg s2  }
0xb1: {  	[dreg:$0x3] =	wrdreg s19  }
0xb2: {  	[dreg:$0x4] =	wrdreg s4  }
0xb3: {  	[dreg:$0x5] =	wrdreg $0x106000  }
0xb4: {  	[dreg:$0x6] =	wrdreg $0x9  }
0xb5: {  	_ =	task.clear_ibuf [dreg:s9], $0x7FFFF;
	_ =	strace $0x90000046  }
0xb6: {  	s29 =	simm.s32 $0x9;
	_ =	strace $0x80000048  }
0xb7: {  	_ =	swait.ge [sflag:s29], $0x1  }
0xb8: {  	[sflag:s29] =	ssyncadd.s32 $0xFFFFFFFF  }
0xb9: {  	_ =	strace $0x90000048  }
0xba: {  	_ =	sfence  }
0xbb: {  	s30 =	sld [smem:$0x0];
	_ =	sdelay $0x2  }
0xbc: {  	s31 =	sshll.u32 s1, $0xD;
	s1 =	sshrl.u32 s1, $0x2  }
0xbd: {  	s3 =	sand.u32 $0x4000, s31;
	s1 =	sadd.s32 s1, s30  }
0xbe: {  	s0 =	sor.u32 s3, s0;
	s1 =	sshll.u32 s1, $0x11  }
0xbf: {  	s0 =	sor.u32 s1, s0  }
0xc0: {  	s0 =	sadd.s32 $0x8F2B, s0  }
0xc1: {  	[sflag:s0] =	ssyncadd.remote.s32 $0x1  }
0xc2: {  	_ =	sfence.sel $0xFFFF  }
0xc3: {  	[dreg:$0x0] =	wrdreg $0xFFFFFFFF;
	(pc) =	sbr.abs _section_cstart, $3  }
0xc4: {  	[dreg:$0x1] =	wrdreg $0xFFFFFFFF  }
0xc5: {  	_ =	task.clear_ibuf [dreg:s9], $0x2FFFF;
	_ =	strace $0x9FFFFFFF  }
0xc6: {  	(tm) =	ssettm $0x7FFFFFFF  }
0xc7: {  	_ =	shalt  }
tec
execute0_lowered:
.L_overlay_start_1:
0x0: {  	(tag) =	ssettag $0x1  }
0x1: {  	s0 =	rddreg [dreg:$0x0]  }
0x2: {  	s1 =	rddreg [dreg:$0x1]  }
0x3: {  	s3 =	rddreg [dreg:$0x2]  }
0x4: {  	s5 =	rddreg [dreg:$0x3]  }
0x5: {  	s2 =	srdreg.scid;
	s29 =	rddreg [dreg:$0x4]  }
0x6: {  	s30 =	stileid.u32;
	s19 =	simm.s32 $0x200;
	s18 =	simm.s32 $0x2200  }
0x7: {  	s17 =	simm.s32 $0x4200;
	s16 =	simm.s32 $0x6200;
	s15 =	simm.s32 $0x8200  }
0x8: {  	s13 =	simm.s32 $0xA200;
	s11 =	simm.s32 $0xC200;
	s28 =	simm.s32 $0x1C0  }
0x9: {  	p1 =	por $0x0, $0x0;
	s12 =	simm.s32 $0xE200;
	s14 =	simm.s32 $0x1  }
0xa: {  	s4 =	sand.u32 $0x1, s2;
	s2 =	simm.s32 $0x0;
	s6 =	sshll.u32 s30, $0xA  }
0xb: {  	s20 =	sshll.u32 s30, $0x7;
	p0 =	sgt.u32 s30, $0x4;
	s7 =	sshll.u32 s4, $0x9  }
0xc: {  	[smem:$0x7FF] =	sst s2;
	s4 =	ssub.s32 $0x2, s4;
	s21 =	sadd.s32 s1, s20  }
0xd: {  	s23 =	sadd.s32 s6, s5;
	s20 =	simm.s32 $0x40;
	s7 =	sor.u32 s7, s6  }
0xe: {  	_ =	strace $0x80000047;
	[dreg:$0x6] =	wrdreg s21;
	s24 =	sshrl.u32 s4, $0x1  }
0xf: {  	[dreg:$0x7] =	wrdreg s23;
	s21 =	simm.s32 $0x3;
	s1 =	ssub.s32 s4, s24  }
0x10: {  	s23 =	simm.s32 $0xC0;
	s22 =	sshll.u32 s7, $0x4;
	s31 =	smax.u32 s1, $0x1  }
0x11: {  	s8 =	sshrl.u32 s7, $0x3;
	s10 =	sadd.s32 s3, s22;
	s22 =	sadd.s32 $0xFFFFFFFF, s31  }
0x12: {  	s24 =	simm.s32 $0x100;
	s0 =	sadd.s32 s0, s8;
	p2 =	sne.s32 s22, $0x0  }
.Ltmp0:
0x13: {  	s3 =	simm.s32 $0x2;
	[dreg:$0x5] =	wrdreg s0;
	(pc) =	sbr.rel @!p2 .LBB2_1-.Ltmp0, $4  }
0x14: {  	s25 =	sadd.s32 $0x400, s10;
	s26 =	sadd.s32 $0x800, s10;
	s9 =	sadd.s32 $0xC00, s10  }
0x15: {  	s8 =	sadd.s32 $0x1000, s10;
	s7 =	sadd.s32 $0x1400, s10;
	[dreg:$0x8] =	wrdreg s25  }
0x16: {  	s6 =	sadd.s32 $0x1800, s10;
	s4 =	sadd.s32 $0x1C00, s10;
	[dreg:$0x9] =	wrdreg s26  }
0x17: {  	s25 =	simm.s32 $0x140;
	s26 =	simm.s32 $0x180;
	s1 =	rddreg [dreg:$0x5]  }
0x18: {  	s0 =	rddreg [dreg:$0x6]  }
0x19: {  	[tilespmem:s2], [sflag:$0x3] =	stream.linear.gather [hbm4b:s1+s2], $0x200, $0x38;
	[tilespmem:$0x10740] =	vst v63  }
0x1a: {  	s29 =	simm.s32 @!p0 $0x0;
	s30 =	simm.s32 @!p0 $0x10200;
	s31 =	simm.s32 @!p0 $0x4  }
0x1b: {  	[tilespmem:s30], [sflag:$0x4] =	stream.linear.gather @!p0 [hbm4b:s0+s29], $0x400, $0x38;
	[tilespmem:$0x10740] =	vst v63  }
0x1c: {  	_ =	swait.ge @!p0 [sflag:s31], $0x400  }
0x1d: {  	[sflag:s31] =	ssyncset.done @!p0 $0x0  }
0x1e: {  	s0 =	rddreg [dreg:$0x7];
	[sflag:s31] =	ssyncadd.s32 @!p0 $0xFFFFFC00  }
0x1f: {  	[spmem:s0] =	stream.linear.scatter @!p0 [tilespmem:s30], [sflag:$0x4], $0x400, $0x38;
	[tilespmem:$0x10740] =	vst v63  }
0x20: {  	_ =	swait.ge @!p0 [sflag:s31], $0x400  }
0x21: {  	[sflag:s31] =	ssyncset.done @!p0 $0x0  }
0x22: {  	[sflag:s31] =	ssyncadd.s32 @!p0 $0xFFFFFC00  }
0x23: {  	_ =	swait.ge [sflag:s21], $0x200  }
0x24: {  	[sflag:s21] =	ssyncset.done $0x0  }
0x25: {  	[sflag:s21] =	ssyncadd.s32 $0xFFFFFE00  }
0x26: {  	[bflag:$0x0] =	sbarrier.arrive $0xFFFF  }
0x27: {  	[tilespmem:s19], [sflag:$0x1] =	stream.indirect.gather [spmem:s5], $0x80, s2, s20, $0xb8;
	[tilespmem:$0x10740] =	vst v63  }
0x28: {  	_ = 	snop  }
0x29: {  	[tilespmem:s18], [sflag:$0x1] =	stream.indirect.gather [spmem:s5], $0x80, s20, s20, $0xb8;
	[tilespmem:$0x10740] =	vst v63  }
0x2a: {  	s1 =	simm.s32 $0x80  }
0x2b: {  	[tilespmem:s17], [sflag:$0x1] =	stream.indirect.gather [spmem:s5], $0x80, s1, s20, $0xb8;
	[tilespmem:$0x10740] =	vst v63  }
0x2c: {  	_ = 	snop  }
0x2d: {  	[tilespmem:s16], [sflag:$0x1] =	stream.indirect.gather [spmem:s5], $0x80, s23, s20, $0xb8;
	[tilespmem:$0x10740] =	vst v63  }
0x2e: {  	_ = 	snop  }
0x2f: {  	[tilespmem:s15], [sflag:$0x1] =	stream.indirect.gather [spmem:s5], $0x80, s24, s20, $0xb8;
	[tilespmem:$0x10740] =	vst v63  }
0x30: {  	_ = 	snop  }
0x31: {  	[tilespmem:s13], [sflag:$0x1] =	stream.indirect.gather [spmem:s5], $0x80, s25, s20, $0xb8;
	[tilespmem:$0x10740] =	vst v63  }
0x32: {  	_ = 	snop  }
0x33: {  	[tilespmem:s11], [sflag:$0x1] =	stream.indirect.gather [spmem:s5], $0x80, s26, s20, $0xb8;
	[tilespmem:$0x10740] =	vst v63  }
0x34: {  	_ = 	snop  }
0x35: {  	[tilespmem:s12], [sflag:$0x1] =	stream.indirect.gather [spmem:s5], $0x80, s28, s20, $0xb8;
	[tilespmem:$0x10740] =	vst v63  }
0x36: {  	_ =	swait.ge [sflag:s14], $0x2000  }
0x37: {  	[sflag:s14] =	ssyncset.done $0x0  }
0x38: {  	[sflag:s14] =	ssyncadd.s32 $0xFFFFE000  }
0x39: {  	[hbm4b:s10+s2] =	stream.linear.scatter [tilespmem:s19], [sflag:$0x2], $0x2000, $0x38;
	[tilespmem:$0x10740] =	vst v63  }
0x3a: {  	_ =	swait.ge [sflag:s14], $0x2000  }
0x3b: {  	[sflag:s14] =	ssyncset.done $0x0  }
0x3c: {  	s1 =	rddreg [dreg:$0x8];
	[sflag:s14] =	ssyncadd.s32 $0xFFFFE000  }
0x3d: {  	[hbm4b:s1+s2] =	stream.linear.scatter [tilespmem:s18], [sflag:$0x2], $0x2000, $0x38;
	[tilespmem:$0x10740] =	vst v63  }
0x3e: {  	_ =	swait.ge [sflag:s14], $0x2000  }
0x3f: {  	[sflag:s14] =	ssyncset.done $0x0  }
0x40: {  	s1 =	rddreg [dreg:$0x9];
	[sflag:s14] =	ssyncadd.s32 $0xFFFFE000  }
0x41: {  	[hbm4b:s1+s2] =	stream.linear.scatter [tilespmem:s17], [sflag:$0x2], $0x2000, $0x38;
	[tilespmem:$0x10740] =	vst v63  }
0x42: {  	_ =	swait.ge [sflag:s14], $0x2000  }
0x43: {  	[sflag:s14] =	ssyncset.done $0x0  }
0x44: {  	[sflag:s14] =	ssyncadd.s32 $0xFFFFE000  }
0x45: {  	[hbm4b:s9+s2] =	stream.linear.scatter [tilespmem:s16], [sflag:$0x2], $0x2000, $0x38;
	[tilespmem:$0x10740] =	vst v63  }
0x46: {  	_ =	swait.ge [sflag:s14], $0x2000  }
0x47: {  	[sflag:s14] =	ssyncset.done $0x0  }
0x48: {  	[sflag:s14] =	ssyncadd.s32 $0xFFFFE000  }
0x49: {  	[hbm4b:s8+s2] =	stream.linear.scatter [tilespmem:s15], [sflag:$0x2], $0x2000, $0x38;
	[tilespmem:$0x10740] =	vst v63  }
0x4a: {  	_ =	swait.ge [sflag:s14], $0x2000  }
0x4b: {  	[sflag:s14] =	ssyncset.done $0x0  }
0x4c: {  	[sflag:s14] =	ssyncadd.s32 $0xFFFFE000  }
0x4d: {  	[hbm4b:s7+s2] =	stream.linear.scatter [tilespmem:s13], [sflag:$0x2], $0x2000, $0x38;
	[tilespmem:$0x10740] =	vst v63  }
0x4e: {  	_ =	swait.ge [sflag:s14], $0x2000  }
0x4f: {  	[sflag:s14] =	ssyncset.done $0x0  }
0x50: {  	[sflag:s14] =	ssyncadd.s32 $0xFFFFE000  }
0x51: {  	[hbm4b:s6+s2] =	stream.linear.scatter [tilespmem:s11], [sflag:$0x2], $0x2000, $0x38;
	[tilespmem:$0x10740] =	vst v63  }
0x52: {  	_ =	swait.ge [sflag:s14], $0x2000  }
0x53: {  	[sflag:s14] =	ssyncset.done $0x0  }
0x54: {  	[sflag:s14] =	ssyncadd.s32 $0xFFFFE000  }
0x55: {  	[hbm4b:s4+s2] =	stream.linear.scatter [tilespmem:s12], [sflag:$0x2], $0x2000, $0x38;
	[tilespmem:$0x10740] =	vst v63  }
0x56: {  	_ =	swait.ge [sflag:s3], $0x2000  }
0x57: {  	[sflag:s3] =	ssyncset.done $0x0  }
0x58: {  	[sflag:s3] =	ssyncadd.s32 $0xFFFFE000  }
0x59: {  	_ =	swait.ge [sflag:s3], $0x2000  }
0x5a: {  	[sflag:s3] =	ssyncset.done $0x0  }
0x5b: {  	[sflag:s3] =	ssyncadd.s32 $0xFFFFE000  }
0x5c: {  	_ =	swait.ge [sflag:s3], $0x2000  }
0x5d: {  	[sflag:s3] =	ssyncset.done $0x0  }
0x5e: {  	[sflag:s3] =	ssyncadd.s32 $0xFFFFE000  }
0x5f: {  	_ =	swait.ge [sflag:s3], $0x2000  }
0x60: {  	[sflag:s3] =	ssyncset.done $0x0  }
0x61: {  	[sflag:s3] =	ssyncadd.s32 $0xFFFFE000  }
0x62: {  	_ =	swait.ge [sflag:s3], $0x2000  }
0x63: {  	[sflag:s3] =	ssyncset.done $0x0  }
0x64: {  	[sflag:s3] =	ssyncadd.s32 $0xFFFFE000  }
0x65: {  	_ =	swait.ge [sflag:s3], $0x2000  }
0x66: {  	s0 =	sadd.s32 $0xFFFFFFFF, s22;
	[sflag:s3] =	ssyncset.done $0x0  }
0x67: {  	p2 =	sne.s32 s0, $0x0;
	[sflag:s3] =	ssyncadd.s32 $0xFFFFE000  }
.Ltmp1:
0x68: {  	_ =	swait.ge [sflag:s3], $0x2000;
	(pc) =	sbr.rel @!p2 .LBB2_3-.Ltmp1, $4  }
0x69: {  	[sflag:s3] =	ssyncset.done $0x0  }
0x6a: {  	[sflag:s3] =	ssyncadd.s32 $0xFFFFE000  }
0x6b: {  	_ =	swait.ge [sflag:s3], $0x2000  }
0x6c: {  	p1 =	por $0x1, $0x1;
	s1 =	rddreg [dreg:$0x5];
	[sflag:s3] =	ssyncset.done $0x0  }
.LBB2_4:
0x6d: {  	[sflag:s3] =	ssyncadd.s32 $0xFFFFE000  }
0x6e: {  	[tilespmem:s2], [sflag:$0x3] =	stream.linear.gather [hbm4b:s1+s2], $0x200, $0x38;
	[tilespmem:$0x10740] =	vst v63  }
0x6f: {  	s22 =	rddreg [dreg:$0x6]  }
0x70: {  	[tilespmem:s30], [sflag:$0x4] =	stream.linear.gather @!p0 [hbm4b:s22+s29], $0x400, $0x38;
	[tilespmem:$0x10740] =	vst v63  }
0x71: {  	_ =	swait.ge @!p0 [sflag:s31], $0x400  }
0x72: {  	[sflag:s31] =	ssyncset.done @!p0 $0x0  }
0x73: {  	s1 =	rddreg [dreg:$0x7];
	[sflag:s31] =	ssyncadd.s32 @!p0 $0xFFFFFC00  }
0x74: {  	[spmem:s1] =	stream.linear.scatter @!p0 [tilespmem:s30], [sflag:$0x4], $0x400, $0x38;
	[tilespmem:$0x10740] =	vst v63  }
0x75: {  	_ =	swait.ge @!p0 [sflag:s31], $0x400  }
0x76: {  	[sflag:s31] =	ssyncset.done @!p0 $0x0  }
0x77: {  	[sflag:s31] =	ssyncadd.s32 @!p0 $0xFFFFFC00  }
0x78: {  	_ =	swait.ge [sflag:s21], $0x200  }
0x79: {  	[sflag:s21] =	ssyncset.done $0x0  }
0x7a: {  	[sflag:s21] =	ssyncadd.s32 $0xFFFFFE00  }
0x7b: {  	[bflag:$0x0] =	sbarrier.arrive $0xFFFF  }
0x7c: {  	[tilespmem:s19], [sflag:$0x1] =	stream.indirect.gather [spmem:s5], $0x80, s2, s20, $0xb8;
	[tilespmem:$0x10740] =	vst v63  }
0x7d: {  	_ = 	snop  }
0x7e: {  	[tilespmem:s18], [sflag:$0x1] =	stream.indirect.gather [spmem:s5], $0x80, s20, s20, $0xb8;
	[tilespmem:$0x10740] =	vst v63  }
0x7f: {  	s22 =	simm.s32 $0x80  }
0x80: {  	[tilespmem:s17], [sflag:$0x1] =	stream.indirect.gather [spmem:s5], $0x80, s22, s20, $0xb8;
	[tilespmem:$0x10740] =	vst v63  }
0x81: {  	_ = 	snop  }
0x82: {  	[tilespmem:s16], [sflag:$0x1] =	stream.indirect.gather [spmem:s5], $0x80, s23, s20, $0xb8;
	[tilespmem:$0x10740] =	vst v63  }
0x83: {  	_ = 	snop  }
0x84: {  	[tilespmem:s15], [sflag:$0x1] =	stream.indirect.gather [spmem:s5], $0x80, s24, s20, $0xb8;
	[tilespmem:$0x10740] =	vst v63  }
0x85: {  	_ = 	snop  }
0x86: {  	[tilespmem:s13], [sflag:$0x1] =	stream.indirect.gather [spmem:s5], $0x80, s25, s20, $0xb8;
	[tilespmem:$0x10740] =	vst v63  }
0x87: {  	_ = 	snop  }
0x88: {  	[tilespmem:s11], [sflag:$0x1] =	stream.indirect.gather [spmem:s5], $0x80, s26, s20, $0xb8;
	[tilespmem:$0x10740] =	vst v63  }
0x89: {  	_ = 	snop  }
0x8a: {  	[tilespmem:s12], [sflag:$0x1] =	stream.indirect.gather [spmem:s5], $0x80, s28, s20, $0xb8;
	[tilespmem:$0x10740] =	vst v63  }
0x8b: {  	_ =	swait.ge [sflag:s14], $0x2000  }
0x8c: {  	[sflag:s14] =	ssyncset.done $0x0  }
0x8d: {  	[sflag:s14] =	ssyncadd.s32 $0xFFFFE000  }
0x8e: {  	[hbm4b:s10+s2] =	stream.linear.scatter [tilespmem:s19], [sflag:$0x2], $0x2000, $0x38;
	[tilespmem:$0x10740] =	vst v63  }
0x8f: {  	_ =	swait.ge [sflag:s14], $0x2000  }
0x90: {  	[sflag:s14] =	ssyncset.done $0x0  }
0x91: {  	s22 =	rddreg [dreg:$0x8];
	[sflag:s14] =	ssyncadd.s32 $0xFFFFE000  }
0x92: {  	[hbm4b:s22+s2] =	stream.linear.scatter [tilespmem:s18], [sflag:$0x2], $0x2000, $0x38;
	[tilespmem:$0x10740] =	vst v63  }
0x93: {  	_ =	swait.ge [sflag:s14], $0x2000  }
0x94: {  	[sflag:s14] =	ssyncset.done $0x0  }
0x95: {  	s22 =	rddreg [dreg:$0x9];
	[sflag:s14] =	ssyncadd.s32 $0xFFFFE000  }
0x96: {  	[hbm4b:s22+s2] =	stream.linear.scatter [tilespmem:s17], [sflag:$0x2], $0x2000, $0x38;
	[tilespmem:$0x10740] =	vst v63  }
0x97: {  	_ =	swait.ge [sflag:s14], $0x2000  }
0x98: {  	[sflag:s14] =	ssyncset.done $0x0  }
0x99: {  	[sflag:s14] =	ssyncadd.s32 $0xFFFFE000  }
0x9a: {  	[hbm4b:s9+s2] =	stream.linear.scatter [tilespmem:s16], [sflag:$0x2], $0x2000, $0x38;
	[tilespmem:$0x10740] =	vst v63  }
0x9b: {  	_ =	swait.ge [sflag:s14], $0x2000  }
0x9c: {  	[sflag:s14] =	ssyncset.done $0x0  }
0x9d: {  	[sflag:s14] =	ssyncadd.s32 $0xFFFFE000  }
0x9e: {  	[hbm4b:s8+s2] =	stream.linear.scatter [tilespmem:s15], [sflag:$0x2], $0x2000, $0x38;
	[tilespmem:$0x10740] =	vst v63  }
0x9f: {  	_ =	swait.ge [sflag:s14], $0x2000  }
0xa0: {  	[sflag:s14] =	ssyncset.done $0x0  }
0xa1: {  	[sflag:s14] =	ssyncadd.s32 $0xFFFFE000  }
0xa2: {  	[hbm4b:s7+s2] =	stream.linear.scatter [tilespmem:s13], [sflag:$0x2], $0x2000, $0x38;
	[tilespmem:$0x10740] =	vst v63  }
0xa3: {  	_ =	swait.ge [sflag:s14], $0x2000  }
0xa4: {  	[sflag:s14] =	ssyncset.done $0x0  }
0xa5: {  	[sflag:s14] =	ssyncadd.s32 $0xFFFFE000  }
0xa6: {  	[hbm4b:s6+s2] =	stream.linear.scatter [tilespmem:s11], [sflag:$0x2], $0x2000, $0x38;
	[tilespmem:$0x10740] =	vst v63  }
0xa7: {  	_ =	swait.ge [sflag:s14], $0x2000  }
0xa8: {  	[sflag:s14] =	ssyncset.done $0x0  }
0xa9: {  	[sflag:s14] =	ssyncadd.s32 $0xFFFFE000  }
0xaa: {  	[hbm4b:s4+s2] =	stream.linear.scatter [tilespmem:s12], [sflag:$0x2], $0x2000, $0x38;
	[tilespmem:$0x10740] =	vst v63  }
0xab: {  	_ =	swait.ge [sflag:s3], $0x2000  }
0xac: {  	[sflag:s3] =	ssyncset.done $0x0  }
0xad: {  	[sflag:s3] =	ssyncadd.s32 $0xFFFFE000  }
0xae: {  	_ =	swait.ge [sflag:s3], $0x2000  }
0xaf: {  	[sflag:s3] =	ssyncset.done $0x0  }
0xb0: {  	[sflag:s3] =	ssyncadd.s32 $0xFFFFE000  }
0xb1: {  	_ =	swait.ge [sflag:s3], $0x2000  }
0xb2: {  	[sflag:s3] =	ssyncset.done $0x0  }
0xb3: {  	[sflag:s3] =	ssyncadd.s32 $0xFFFFE000  }
0xb4: {  	_ =	swait.ge [sflag:s3], $0x2000  }
0xb5: {  	[sflag:s3] =	ssyncset.done $0x0  }
0xb6: {  	[sflag:s3] =	ssyncadd.s32 $0xFFFFE000  }
0xb7: {  	_ =	swait.ge [sflag:s3], $0x2000  }
0xb8: {  	[sflag:s3] =	ssyncset.done $0x0  }
0xb9: {  	[sflag:s3] =	ssyncadd.s32 $0xFFFFE000  }
0xba: {  	_ =	swait.ge [sflag:s3], $0x2000  }
0xbb: {  	s0 =	sadd.s32 $0xFFFFFFFF, s0;
	[sflag:s3] =	ssyncset.done $0x0  }
0xbc: {  	p2 =	sne.s32 s0, $0x0;
	[sflag:s3] =	ssyncadd.s32 $0xFFFFE000  }
.Ltmp2:
0xbd: {  	_ =	swait.ge [sflag:s3], $0x2000;
	(pc) =	sbr.rel @p2 .LBB2_4-.Ltmp2, $4  }
0xbe: {  	[sflag:s3] =	ssyncset.done $0x0  }
0xbf: {  	[sflag:s3] =	ssyncadd.s32 $0xFFFFE000  }
0xc0: {  	_ =	swait.ge [sflag:s3], $0x2000  }
0xc1: {  	s1 =	rddreg [dreg:$0x5];
	[sflag:s3] =	ssyncset.done $0x0  }
0xc2: {  	s31 =	simm.s32 $0x80;
	s29 =	rddreg [dreg:$0x4];
	s30 =	stileid.u32  }
.LBB2_6:
0xc3: {  	[sflag:s3] =	ssyncadd.s32 @p1 $0xFFFFE000  }
0xc4: {  	[tilespmem:s2], [sflag:$0x3] =	stream.linear.gather [hbm4b:s1+s2], $0x200, $0x38;
	[tilespmem:$0x10740] =	vst v63  }
0xc5: {  	s0 =	rddreg [dreg:$0x6];
	s22 =	simm.s32 @!p0 $0x10200;
	s1 =	simm.s32 @!p0 $0x0  }
0xc6: {  	[tilespmem:s22], [sflag:$0x4] =	stream.linear.gather @!p0 [hbm4b:s0+s1], $0x400, $0x38;
	[tilespmem:$0x10740] =	vst v63  }
0xc7: {  	s0 =	simm.s32 @!p0 $0x4  }
0xc8: {  	_ =	swait.ge @!p0 [sflag:s0], $0x400  }
0xc9: {  	[sflag:s0] =	ssyncset.done @!p0 $0x0  }
0xca: {  	s1 =	rddreg [dreg:$0x7];
	[sflag:s0] =	ssyncadd.s32 @!p0 $0xFFFFFC00  }
0xcb: {  	[spmem:s1] =	stream.linear.scatter @!p0 [tilespmem:s22], [sflag:$0x4], $0x400, $0x38;
	[tilespmem:$0x10740] =	vst v63  }
0xcc: {  	_ =	swait.ge @!p0 [sflag:s0], $0x400  }
0xcd: {  	[sflag:s0] =	ssyncset.done @!p0 $0x0  }
0xce: {  	[sflag:s0] =	ssyncadd.s32 @!p0 $0xFFFFFC00  }
0xcf: {  	_ =	swait.ge [sflag:s21], $0x200  }
0xd0: {  	[sflag:s21] =	ssyncset.done $0x0  }
0xd1: {  	[sflag:s21] =	ssyncadd.s32 $0xFFFFFE00  }
0xd2: {  	[bflag:$0x0] =	sbarrier.arrive $0xFFFF  }
0xd3: {  	[tilespmem:s19], [sflag:$0x1] =	stream.indirect.gather [spmem:s5], $0x80, s2, s20, $0xb8;
	[tilespmem:$0x10740] =	vst v63  }
0xd4: {  	_ = 	snop  }
0xd5: {  	[tilespmem:s18], [sflag:$0x1] =	stream.indirect.gather [spmem:s5], $0x80, s20, s20, $0xb8;
	[tilespmem:$0x10740] =	vst v63  }
0xd6: {  	_ = 	snop  }
0xd7: {  	[tilespmem:s17], [sflag:$0x1] =	stream.indirect.gather [spmem:s5], $0x80, s31, s20, $0xb8;
	[tilespmem:$0x10740] =	vst v63  }
0xd8: {  	_ = 	snop  }
0xd9: {  	[tilespmem:s16], [sflag:$0x1] =	stream.indirect.gather [spmem:s5], $0x80, s23, s20, $0xb8;
	[tilespmem:$0x10740] =	vst v63  }
0xda: {  	_ = 	snop  }
0xdb: {  	[tilespmem:s15], [sflag:$0x1] =	stream.indirect.gather [spmem:s5], $0x80, s24, s20, $0xb8;
	[tilespmem:$0x10740] =	vst v63  }
0xdc: {  	_ = 	snop  }
0xdd: {  	[tilespmem:s13], [sflag:$0x1] =	stream.indirect.gather [spmem:s5], $0x80, s25, s20, $0xb8;
	[tilespmem:$0x10740] =	vst v63  }
0xde: {  	_ = 	snop  }
0xdf: {  	[tilespmem:s11], [sflag:$0x1] =	stream.indirect.gather [spmem:s5], $0x80, s26, s20, $0xb8;
	[tilespmem:$0x10740] =	vst v63  }
0xe0: {  	_ = 	snop  }
0xe1: {  	[tilespmem:s12], [sflag:$0x1] =	stream.indirect.gather [spmem:s5], $0x80, s28, s20, $0xb8;
	[tilespmem:$0x10740] =	vst v63  }
0xe2: {  	_ =	swait.ge [sflag:s14], $0x2000  }
0xe3: {  	[sflag:s14] =	ssyncset.done $0x0  }
0xe4: {  	[sflag:s14] =	ssyncadd.s32 $0xFFFFE000  }
0xe5: {  	[hbm4b:s10+s2] =	stream.linear.scatter [tilespmem:s19], [sflag:$0x2], $0x2000, $0x38;
	[tilespmem:$0x10740] =	vst v63  }
0xe6: {  	_ =	swait.ge [sflag:s14], $0x2000  }
0xe7: {  	[sflag:s14] =	ssyncset.done $0x0  }
0xe8: {  	s28 =	rddreg [dreg:$0x8];
	[sflag:s14] =	ssyncadd.s32 $0xFFFFE000  }
0xe9: {  	[hbm4b:s28+s2] =	stream.linear.scatter [tilespmem:s18], [sflag:$0x2], $0x2000, $0x38;
	[tilespmem:$0x10740] =	vst v63  }
0xea: {  	_ =	swait.ge [sflag:s14], $0x2000  }
0xeb: {  	[sflag:s14] =	ssyncset.done $0x0  }
0xec: {  	s31 =	rddreg [dreg:$0x9];
	[sflag:s14] =	ssyncadd.s32 $0xFFFFE000  }
0xed: {  	[hbm4b:s31+s2] =	stream.linear.scatter [tilespmem:s17], [sflag:$0x2], $0x2000, $0x38;
	[tilespmem:$0x10740] =	vst v63  }
0xee: {  	_ =	swait.ge [sflag:s14], $0x2000  }
0xef: {  	[sflag:s14] =	ssyncset.done $0x0  }
0xf0: {  	[sflag:s14] =	ssyncadd.s32 $0xFFFFE000  }
0xf1: {  	[hbm4b:s9+s2] =	stream.linear.scatter [tilespmem:s16], [sflag:$0x2], $0x2000, $0x38;
	[tilespmem:$0x10740] =	vst v63  }
0xf2: {  	_ =	swait.ge [sflag:s14], $0x2000  }
0xf3: {  	[sflag:s14] =	ssyncset.done $0x0  }
0xf4: {  	[sflag:s14] =	ssyncadd.s32 $0xFFFFE000  }
0xf5: {  	[hbm4b:s8+s2] =	stream.linear.scatter [tilespmem:s15], [sflag:$0x2], $0x2000, $0x38;
	[tilespmem:$0x10740] =	vst v63  }
0xf6: {  	_ =	swait.ge [sflag:s14], $0x2000  }
0xf7: {  	[sflag:s14] =	ssyncset.done $0x0  }
0xf8: {  	[sflag:s14] =	ssyncadd.s32 $0xFFFFE000  }
0xf9: {  	[hbm4b:s7+s2] =	stream.linear.scatter [tilespmem:s13], [sflag:$0x2], $0x2000, $0x38;
	[tilespmem:$0x10740] =	vst v63  }
0xfa: {  	_ =	swait.ge [sflag:s14], $0x2000  }
0xfb: {  	[sflag:s14] =	ssyncset.done $0x0  }
0xfc: {  	[sflag:s14] =	ssyncadd.s32 $0xFFFFE000  }
0xfd: {  	[hbm4b:s6+s2] =	stream.linear.scatter [tilespmem:s11], [sflag:$0x2], $0x2000, $0x38;
	[tilespmem:$0x10740] =	vst v63  }
0xfe: {  	_ =	swait.ge [sflag:s14], $0x2000  }
0xff: {  	[sflag:s14] =	ssyncset.done $0x0  }
0x100: {  	[sflag:s14] =	ssyncadd.s32 $0xFFFFE000  }
0x101: {  	[hbm4b:s4+s2] =	stream.linear.scatter [tilespmem:s12], [sflag:$0x2], $0x2000, $0x38;
	[tilespmem:$0x10740] =	vst v63  }
0x102: {  	_ =	swait.ge [sflag:s3], $0x2000  }
0x103: {  	[sflag:s3] =	ssyncset.done $0x0  }
0x104: {  	[sflag:s3] =	ssyncadd.s32 $0xFFFFE000  }
0x105: {  	_ =	swait.ge [sflag:s3], $0x2000  }
0x106: {  	[sflag:s3] =	ssyncset.done $0x0  }
0x107: {  	[sflag:s3] =	ssyncadd.s32 $0xFFFFE000  }
0x108: {  	_ =	swait.ge [sflag:s3], $0x2000  }
0x109: {  	[sflag:s3] =	ssyncset.done $0x0  }
0x10a: {  	[sflag:s3] =	ssyncadd.s32 $0xFFFFE000  }
0x10b: {  	_ =	swait.ge [sflag:s3], $0x2000  }
0x10c: {  	[sflag:s3] =	ssyncset.done $0x0  }
0x10d: {  	[sflag:s3] =	ssyncadd.s32 $0xFFFFE000  }
0x10e: {  	_ =	swait.ge [sflag:s3], $0x2000  }
0x10f: {  	[sflag:s3] =	ssyncset.done $0x0  }
0x110: {  	[sflag:s3] =	ssyncadd.s32 $0xFFFFE000  }
0x111: {  	_ =	swait.ge [sflag:s3], $0x2000  }
0x112: {  	[sflag:s3] =	ssyncset.done $0x0  }
0x113: {  	[sflag:s3] =	ssyncadd.s32 $0xFFFFE000  }
0x114: {  	_ =	swait.ge [sflag:s3], $0x2000  }
0x115: {  	[sflag:s3] =	ssyncset.done $0x0  }
0x116: {  	[sflag:s3] =	ssyncadd.s32 $0xFFFFE000  }
0x117: {  	_ =	swait.ge [sflag:s3], $0x2000  }
0x118: {  	[sflag:s3] =	ssyncset.done $0x0  }
0x119: {  	[sflag:s3] =	ssyncadd.s32 $0xFFFFE000  }
0x11a: {  	_ =	sfence.sel $0x180000  }
0x11b: {  	[bflag:$0x0] =	sbarrier.arrive $0xFFFF  }
0x11c: {  	p0 =	sne.s32 s30, $0x0;
	_ =	strace $0x90000047  }
0x11d: {  	s0 =	sadd.s32 @!p0 $0x100000, s29;
	[bflag:$0x2] =	sbarrier.arrive $0xFFFF  }
0x11e: {  	[sflag:s0] =	ssyncadd.tile.s32 @!p0 $0x1;
	_ =	shalt  }
.LBB2_1:
.Ltmp3:
0x11f: {  	(pc) =	sbr.rel .LBB2_6-.Ltmp3, $2  }
0x120: {  	_ =	sdelay $0x2  }
0x121: {  	s31 =	simm.s32 $0x80  }
.LBB2_3:
.Ltmp4:
0x122: {  	(pc) =	sbr.rel .LBB2_6-.Ltmp4, $2  }
0x123: {  	_ =	sdelay $0x2  }
0x124: {  	s31 =	simm.s32 $0x80;
	s29 =	rddreg [dreg:$0x4];
	s30 =	stileid.u32  }
.Lfunc_end2:
_tile_overlayer_lowered:
.L_overlay_start_2:
0x125: {  	(tag) =	ssettag $0x2  }
0x126: {  	s0 =	rddreg [dreg:$0x0];
	s2 =	stileid.u32  }
0x127: {  	s1 =	rddreg [dreg:$0x1];
	p0 =	sne.s32 s2, $0x0  }
0x128: {  	s3 =	rddreg [dreg:$0x2];
	[bflag:$0x3] =	sbarrier.arrive $0xFFFF;
	s2 =	simm.s32 @!p0 $0x1C04  }
0x129: {  	[timem:s3], [sflag:s2] =	dma.local @!p0 [hbm:s0], s1  }
0x12a: {  	s0 =	simm.s32 @!p0 $0x4  }
0x12b: {  	_ =	swait.ge @!p0 [sflag:s0], s1  }
0x12c: {  	s1 =	ssub.s32 @!p0 $0x0, s1;
	[sflag:s0] =	ssyncset.done @!p0 $0x0  }
0x12d: {  	[sflag:s0] =	ssyncadd.s32 @!p0 s1  }
0x12e: {  	[bflag:$0x3] =	sbarrier.arrive $0xFFFF  }
0x12f: {  	_ =	shalt  }

</sc_bundles>
